<compile_context>
chip_gen: v7x
topology: tpu7x:2x2x1
jax: 0.10.2.dev20260603
libtpu: 0.0.44.dev20260713+nightly
codegen_flags: <defaults>
</compile_context>

<pallas_src>
import functools

import jax
import jax.numpy as jnp
from jax import lax
from jax.experimental import pallas as pl
from jax.experimental.pallas import tpu as pltpu
from jax.experimental.pallas import tpu_sc as plsc

N = 10000
E = 320000
H = 64
EPS = 1e-5

ROWS = 2000
GRID = N // ROWS

NW = 32
CHUNK = 80
EDGES_PER_W = E // NW
NCHUNK = EDGES_PER_W // CHUNK
AGG_ROWS = N
SLICE = 624
SLICE_LAST = N - 15 * SLICE
ZROWS = 160



def _segsum_body(hw, edges, out, sidx, didx, rows0, rows1, rows2, rows3,
                 zbuf, agg, gsem0, gsem1, gsem2, gsem3,
                 ssem0, ssem1, ssem2, ssem3):
    cid = lax.axis_index("c")
    sid = lax.axis_index("s")
    wid = cid * 16 + sid

    pltpu.sync_copy(edges.at[0, wid], sidx)
    pltpu.sync_copy(edges.at[1, wid], didx)

    rows = (rows0, rows1, rows2, rows3)
    gsem = (gsem0, gsem1, gsem2, gsem3)
    ssem = (ssem0, ssem1, ssem2, ssem3)

    for b in range(3):
        pltpu.async_copy(hw.at[sidx.at[b]], rows[b], gsem[b])

    def zrow(i, _):
        for k in range(4):
            zbuf[i, pl.ds(k * 16, 16)] = jnp.zeros((16,), jnp.float32)
        return 0
    lax.fori_loop(0, ZROWS, zrow, 0)

    base = sid * SLICE
    for k in range(3):
        pltpu.sync_copy(zbuf, agg.at[pl.ds(base + k * ZROWS, ZROWS)])

    @pl.when(sid < 15)
    def _():
        pltpu.sync_copy(zbuf.at[pl.ds(0, SLICE - 3 * ZROWS)],
                        agg.at[pl.ds(base + 3 * ZROWS, SLICE - 3 * ZROWS)])

    @pl.when(sid == 15)
    def _():
        pltpu.sync_copy(zbuf, agg.at[pl.ds(base + 3 * ZROWS, ZROWS)])

    plsc.subcore_barrier()

    def step(s, _):
        for b in range(4):
            jj = 4 * s + b
            pltpu.make_async_copy(hw.at[sidx.at[jj]], rows[b], gsem[b]).wait()
            pltpu.async_copy(rows[b], agg.at[didx.at[jj]], ssem[b], add=True)
            b3 = (b + 3) % 4

            @pl.when(jj + 3 < NCHUNK)
            def _():
                @pl.when(jj >= 1)
                def _():
                    pltpu.make_async_copy(
                        rows[b3], agg.at[didx.at[jj - 1]], ssem[b3]).wait()
                pltpu.async_copy(hw.at[sidx.at[jj + 3]], rows[b3], gsem[b3])
        return 0
    lax.fori_loop(0, (NCHUNK - 1) // 4, step, 0)

    last = NCHUNK - 1
    pltpu.make_async_copy(hw.at[sidx.at[last]], rows[0], gsem[0]).wait()
    pltpu.async_copy(rows[0], agg.at[didx.at[last]], ssem[0], add=True)
    pltpu.make_async_copy(rows[0], agg.at[didx.at[last]], ssem[0]).wait()
    pltpu.make_async_copy(rows[1], agg.at[didx.at[NCHUNK - 4]], ssem[1]).wait()
    pltpu.make_async_copy(rows[2], agg.at[didx.at[NCHUNK - 3]], ssem[2]).wait()
    pltpu.make_async_copy(rows[3], agg.at[didx.at[NCHUNK - 2]], ssem[3]).wait()

    plsc.subcore_barrier()

    @pl.when(sid < 15)
    def _():
        pltpu.sync_copy(agg.at[pl.ds(sid * SLICE, SLICE)],
                        out.at[pl.ds(sid * SLICE, SLICE),
                               pl.ds(cid * H, H)])

    @pl.when(sid == 15)
    def _():
        pltpu.sync_copy(agg.at[pl.ds(15 * SLICE, SLICE_LAST)],
                        out.at[pl.ds(15 * SLICE, SLICE_LAST),
                               pl.ds(cid * H, H)])


@functools.cache
def _make_segsum():
    return pl.kernel(
        _segsum_body,
        out_type=jax.ShapeDtypeStruct((N, 2 * H), jnp.float32),
        mesh=plsc.VectorSubcoreMesh(core_axis_name="c", subcore_axis_name="s",
                                    num_cores=2, num_subcores=16),
        scratch_types=[
            pltpu.VMEM((NCHUNK, CHUNK), jnp.int32),
            pltpu.VMEM((NCHUNK, CHUNK), jnp.int32),
            pltpu.VMEM((CHUNK, H), jnp.float32),
            pltpu.VMEM((CHUNK, H), jnp.float32),
            pltpu.VMEM((CHUNK, H), jnp.float32),
            pltpu.VMEM((CHUNK, H), jnp.float32),
            pltpu.VMEM((ZROWS, H), jnp.float32),
            pltpu.VMEM_SHARED((AGG_ROWS, H), jnp.float32),
        ] + [pltpu.SemaphoreType.DMA] * 8,
        compiler_params=pltpu.CompilerParams(use_tc_tiling_on_sc=False),
    )


def _segsum(hw, edges):
    return _make_segsum()(hw, edges)



def _dense0_body(h_ref, W_ref, b_ref, Wr_ref, br_ref, hw_ref, res_ref):
    h = h_ref[...]
    hw_ref[...] = jnp.dot(h, W_ref[...],
                          preferred_element_type=jnp.float32) + b_ref[...]
    r = jnp.dot(h, Wr_ref[...], preferred_element_type=jnp.float32) + br_ref[...]
    res_ref[...] = jnp.maximum(r, 0.0)


def _accum_u(parts_ref, res_ref, u_all, st, i):
    p = parts_ref[...]
    u = jnp.maximum(p[:, :H] + p[:, H:], 0.0) + res_ref[...]
    u_all[pl.ds(i * ROWS, ROWS), :] = u

    @pl.when(i == 0)
    def _():
        st[...] = jnp.zeros_like(st)

    s = jnp.sum(u, axis=0, keepdims=True)
    s2 = jnp.sum(u * u, axis=0, keepdims=True)
    st[...] += jnp.concatenate([s, s2], axis=0)


def _norm_coeffs(st, g_ref, be_ref):
    mean = st[0:1, :] * (1.0 / N)
    var = st[1:2, :] * (1.0 / N) - mean * mean
    a = g_ref[...] * lax.rsqrt(var + EPS)
    c = be_ref[...] - mean * a
    return a, c


def _combdense_body(parts_ref, res_ref, g_ref, be_ref, W_ref, b_ref, Wr_ref,
                    br_ref, hw_ref, res_out, u_all, st):
    p = pl.program_id(0)
    i = pl.program_id(1)

    @pl.when(p == 0)
    def _():
        _accum_u(parts_ref, res_ref, u_all, st, i)

    @pl.when(p == 1)
    def _():
        a, c = _norm_coeffs(st, g_ref, be_ref)
        h = u_all[pl.ds(i * ROWS, ROWS), :] * a + c
        hw_ref[...] = jnp.dot(h, W_ref[...],
                              preferred_element_type=jnp.float32) + b_ref[...]
        r = jnp.dot(h, Wr_ref[...],
                    preferred_element_type=jnp.float32) + br_ref[...]
        res_out[...] = jnp.maximum(r, 0.0)


def _combhead_body(parts_ref, res_ref, g_ref, be_ref, Wd_ref, bd_ref,
                   out_ref, u_all, st):
    p = pl.program_id(0)
    i = pl.program_id(1)

    @pl.when(p == 0)
    def _():
        _accum_u(parts_ref, res_ref, u_all, st, i)

    @pl.when(p == 1)
    def _():
        a, c = _norm_coeffs(st, g_ref, be_ref)
        h = u_all[pl.ds(i * ROWS, ROWS), :] * a + c
        logits = jnp.dot(h, Wd_ref[...],
                         preferred_element_type=jnp.float32) + bd_ref[...]
        z = logits - jnp.max(logits, axis=1, keepdims=True)
        ez = jnp.exp(z)
        out_ref[...] = ez / jnp.sum(ez, axis=1, keepdims=True)


def _row_spec(d):
    return pl.BlockSpec((ROWS, d), lambda i: (i, 0))


def _full_spec(r, d):
    return pl.BlockSpec((r, d), lambda i: (0, 0))


def _full_spec2(r, d):
    return pl.BlockSpec((r, d), lambda p, i: (0, 0))


def _phase0_parts_spec():
    return pl.BlockSpec((ROWS, 2 * H),
                        lambda p, i: (jnp.where(p == 0, i, GRID - 1), 0))


def _phase0_row_spec(d):
    return pl.BlockSpec((ROWS, d),
                        lambda p, i: (jnp.where(p == 0, i, GRID - 1), 0))


def _phase1_out_spec(d):
    return pl.BlockSpec((ROWS, d),
                        lambda p, i: (jnp.where(p == 0, 0, i), 0))


def _dense0(h, W, b, Wr, br):
    return pl.pallas_call(
        _dense0_body,
        grid=(GRID,),
        in_specs=[_row_spec(h.shape[1]), _full_spec(*W.shape), _full_spec(1, H),
                  _full_spec(*Wr.shape), _full_spec(1, H)],
        out_specs=[_row_spec(H), _row_spec(H)],
        out_shape=[jax.ShapeDtypeStruct((N, H), jnp.float32)] * 2,
    )(h, W, b, Wr, br)


def _combdense(parts, res, g, be, W, b, Wr, br):
    return pl.pallas_call(
        _combdense_body,
        grid=(2, GRID),
        in_specs=[_phase0_parts_spec(), _phase0_row_spec(H), _full_spec2(1, H),
                  _full_spec2(1, H), _full_spec2(*W.shape), _full_spec2(1, H),
                  _full_spec2(*Wr.shape), _full_spec2(1, H)],
        out_specs=[_phase1_out_spec(H), _phase1_out_spec(H)],
        out_shape=[jax.ShapeDtypeStruct((N, H), jnp.float32)] * 2,
        scratch_shapes=[pltpu.VMEM((N, H), jnp.float32),
                        pltpu.VMEM((2, H), jnp.float32)],
    )(parts, res, g, be, W, b, Wr, br)


def _combhead(parts, res, g, be, Wd, bd):
    return pl.pallas_call(
        _combhead_body,
        grid=(2, GRID),
        in_specs=[_phase0_parts_spec(), _phase0_row_spec(H), _full_spec2(1, H),
                  _full_spec2(1, H), _full_spec2(*Wd.shape), _full_spec2(1, 2)],
        out_specs=_phase1_out_spec(2),
        out_shape=jax.ShapeDtypeStruct((N, 2), jnp.float32),
        scratch_shapes=[pltpu.VMEM((N, H), jnp.float32),
                        pltpu.VMEM((2, H), jnp.float32)],
    )(parts, res, g, be, Wd, bd)


def kernel(in_feat, edge_index, W0, b0, Wr0, br0, g0, be0,
           W1, b1, Wr1, br1, g1, be1, Wd, bd):
    edges = edge_index.reshape(2, NW, NCHUNK, CHUNK)
    b0r, br0r, g0r, be0r = (v.reshape(1, H) for v in (b0, br0, g0, be0))
    b1r, br1r, g1r, be1r = (v.reshape(1, H) for v in (b1, br1, g1, be1))
    bdr = bd.reshape(1, 2)

    hw0, res0 = _dense0(in_feat, W0, b0r, Wr0, br0r)
    parts0 = _segsum(hw0, edges)
    hw1, res1 = _combdense(parts0, res0, g0r, be0r, W1, b1r, Wr1, br1r)
    parts1 = _segsum(hw1, edges)
    return _combhead(parts1, res1, g1r, be1r, Wd, bdr)

# --- scband reference (transcript-rebuilt; emitter-appended) ---
"""Pipeline reference for scband-gnn-31782757990543 (READ-ONLY COPY).

The authoritative reference and input builder live on the scoring server;
editing this copy changes nothing except your own understanding.
"""

import jax, jax.numpy as jnp
import numpy as np

N = 10000
E = 320000
D_IN = 128
LAYERS = [64, 64]
EPS = 1e-5

def setup_inputs(seed: int = 0) -> dict:
    key = jax.random.key(seed)
    ks = jax.random.split(key, 32)
    inp = {}
    inp['in_feat'] = jax.random.normal(ks[0], (N, D_IN), dtype=jnp.float32)
    inp['edge_index'] = jax.random.randint(ks[1], (2, E), 0, N, dtype=jnp.int32)
    dims = [D_IN] + LAYERS
    ki = 2
    for i in range(len(LAYERS)):
        di, do = dims[i], dims[i + 1]
        s = 1.0 / np.sqrt(di)
        inp['W%d' % i] = jax.random.uniform(ks[ki], (di, do), jnp.float32, -s, s); ki += 1
        inp['b%d' % i] = jnp.zeros((do,), jnp.float32)
        inp['Wr%d' % i] = jax.random.uniform(ks[ki], (di, do), jnp.float32, -s, s); ki += 1
        inp['br%d' % i] = jnp.zeros((do,), jnp.float32)
        inp['g%d' % i] = jnp.ones((do,), jnp.float32)
        inp['be%d' % i] = jnp.zeros((do,), jnp.float32)
    sd = 1.0 / np.sqrt(LAYERS[-1])
    inp['Wd'] = jax.random.uniform(ks[ki], (LAYERS[-1], 2), jnp.float32, -sd, sd)
    inp['bd'] = jnp.zeros((2,), jnp.float32)
    return inp

def reference(in_feat, edge_index, W0, b0, Wr0, br0, g0, be0, W1, b1, Wr1, br1, g1, be1, Wd, bd):
    src = edge_index[0]
    dst = edge_index[1]
    h = in_feat
    layer_params = [(W0, b0, Wr0, br0, g0, be0), (W1, b1, Wr1, br1, g1, be1)]
    for (W, b, Wr, br, g, be) in layer_params:
        # GraphConv (norm='none'): sum-aggregate messages of h@W, then activation
        hw = h @ W + b
        msg = jnp.take(hw, src, axis=0)
        agg = jax.ops.segment_sum(msg, dst, num_segments=N)
        new_h = jax.nn.relu(agg)
        # residual connection: activation(res_linear(h))
        res = jax.nn.relu(h @ Wr + br)
        new_h = new_h + res
        # dropout omitted (eval / deterministic reference)
        # batchnorm (training-mode batch statistics)
        mean = jnp.mean(new_h, axis=0)
        var = jnp.var(new_h, axis=0)
        new_h = (new_h - mean) / jnp.sqrt(var + EPS) * g + be
        h = new_h
    logits = h @ Wd + bd
    return jax.nn.softmax(logits, axis=1)

if __name__ == "__main__":
    import jax
    _d = setup_inputs()
    print(jax.jit(kernel)(*tuple(_d.values())))

</pallas_src>

<mosaic_0001>
#map = affine_map<(d0, d1) -> (0, 0)>
#map1 = affine_map<(d0, d1) -> (0, 0, 0, 0)>
module attributes {stable_mosaic.version = 14 : i64} {
  func.func @_segsum_body(%arg0: i32, %arg1: i32, %arg2: memref<10000x64xf32, #tpu.memory_space<hbm>>, %arg3: memref<2x32x125x80xi32, #tpu.memory_space<hbm>>, %arg4: memref<10000x128xf32, #tpu.memory_space<hbm>>, %arg5: memref<125x80xi32, #tpu.memory_space<vmem>>, %arg6: memref<125x80xi32, #tpu.memory_space<vmem>>, %arg7: memref<80x64xf32, #tpu.memory_space<vmem>>, %arg8: memref<80x64xf32, #tpu.memory_space<vmem>>, %arg9: memref<80x64xf32, #tpu.memory_space<vmem>>, %arg10: memref<80x64xf32, #tpu.memory_space<vmem>>, %arg11: memref<160x64xf32, #tpu.memory_space<vmem>>, %arg12: memref<10000x64xf32, #tpu.memory_space<vmem_shared>>, %arg13: memref<!tpu.dma_semaphore, #tpu.memory_space<semaphore_mem>>, %arg14: memref<!tpu.dma_semaphore, #tpu.memory_space<semaphore_mem>>, %arg15: memref<!tpu.dma_semaphore, #tpu.memory_space<semaphore_mem>>, %arg16: memref<!tpu.dma_semaphore, #tpu.memory_space<semaphore_mem>>, %arg17: memref<!tpu.dma_semaphore, #tpu.memory_space<semaphore_mem>>, %arg18: memref<!tpu.dma_semaphore, #tpu.memory_space<semaphore_mem>>, %arg19: memref<!tpu.dma_semaphore, #tpu.memory_space<semaphore_mem>>, %arg20: memref<!tpu.dma_semaphore, #tpu.memory_space<semaphore_mem>>) attributes {dimension_semantics = [#tpu.dimension_semantics<core_parallel>, #tpu.dimension_semantics<subcore_parallel>], iteration_bounds = array<i64: 2, 16>, scalar_prefetch = 0 : i64, scratch_operands = 16 : i64, tpu.core_type = #tpu.core_type<sc_vector_subcore>, window_params = [{transform_indices = #map}, {transform_indices = #map1}, {transform_indices = #map}]} {
    %mul3A = arith.constant 16 : i32
    %mul3A_0 = arith.muli %arg0, %mul3A : i32
    %add3A = arith.addi %mul3A_0, %arg1 : i32
    %run_scoped3A = arith.constant 0 : i32
    "tpu.region"() ({
      %run_scoped3A_101 = tpu.sem_alloc : memref<!tpu.dma_semaphore, #tpu.memory_space<semaphore_mem>>
      %dma_start3A_102 = arith.constant 0 : i32
      %dma_start3A_103 = arith.constant 0 : i32
      %dma_start3A_104 = tpu.memref_slice %arg3[%run_scoped3A, %add3A, %dma_start3A_102, %dma_start3A_103] : memref<2x32x125x80xi32, #tpu.memory_space<hbm>> -> memref<1x1x125x80xi32, #tpu.memory_space<hbm>>
      %dma_start3A_105 = tpu.memref_squeeze %dma_start3A_104 : memref<1x1x125x80xi32, #tpu.memory_space<hbm>> -> memref<125x80xi32, #tpu.memory_space<hbm>>
      %dma_start3A_106 = arith.constant 0 : i32
      %dma_start3A_107 = arith.constant 0 : i32
      %dma_start3A_108 = tpu.memref_slice %arg3[%run_scoped3A, %add3A, %dma_start3A_106, %dma_start3A_107] : memref<2x32x125x80xi32, #tpu.memory_space<hbm>> -> memref<1x1x125x80xi32, #tpu.memory_space<hbm>>
      %dma_start3A_109 = tpu.memref_squeeze %dma_start3A_108 : memref<1x1x125x80xi32, #tpu.memory_space<hbm>> -> memref<125x80xi32, #tpu.memory_space<hbm>>
      tpu.enqueue_dma source(%dma_start3A_109 : memref<125x80xi32, #tpu.memory_space<hbm>>) target(%arg5 : memref<125x80xi32, #tpu.memory_space<vmem>>) target_semaphore(%run_scoped3A_101 : memref<!tpu.dma_semaphore, #tpu.memory_space<semaphore_mem>>)
      %dma_wait3A_110 = arith.constant 0 : i32
      %dma_wait3A_111 = arith.constant 0 : i32
      %dma_wait3A_112 = tpu.memref_slice %arg3[%run_scoped3A, %add3A, %dma_wait3A_110, %dma_wait3A_111] : memref<2x32x125x80xi32, #tpu.memory_space<hbm>> -> memref<1x1x125x80xi32, #tpu.memory_space<hbm>>
      %dma_wait3A_113 = tpu.memref_squeeze %dma_wait3A_112 : memref<1x1x125x80xi32, #tpu.memory_space<hbm>> -> memref<125x80xi32, #tpu.memory_space<hbm>>
      %dma_wait3A_114 = arith.constant 0 : i32
      %dma_wait3A_115 = arith.constant 0 : i32
      %dma_wait3A_116 = tpu.memref_slice %arg3[%run_scoped3A, %add3A, %dma_wait3A_114, %dma_wait3A_115] : memref<2x32x125x80xi32, #tpu.memory_space<hbm>> -> memref<1x1x125x80xi32, #tpu.memory_space<hbm>>
      %dma_wait3A_117 = tpu.memref_squeeze %dma_wait3A_116 : memref<1x1x125x80xi32, #tpu.memory_space<hbm>> -> memref<125x80xi32, #tpu.memory_space<hbm>>
      tpu.wait_dma2 semaphore(%run_scoped3A_101 : memref<!tpu.dma_semaphore, #tpu.memory_space<semaphore_mem>>) src(%dma_wait3A_117 : memref<125x80xi32, #tpu.memory_space<hbm>>) dst(%arg5 : memref<125x80xi32, #tpu.memory_space<vmem>>)
      tpu.yield
    }) : () -> ()
    %run_scoped3A_1 = arith.constant 1 : i32
    "tpu.region"() ({
      %run_scoped3A_101 = tpu.sem_alloc : memref<!tpu.dma_semaphore, #tpu.memory_space<semaphore_mem>>
      %dma_start3A_102 = arith.constant 0 : i32
      %dma_start3A_103 = arith.constant 0 : i32
      %dma_start3A_104 = tpu.memref_slice %arg3[%run_scoped3A_1, %add3A, %dma_start3A_102, %dma_start3A_103] : memref<2x32x125x80xi32, #tpu.memory_space<hbm>> -> memref<1x1x125x80xi32, #tpu.memory_space<hbm>>
      %dma_start3A_105 = tpu.memref_squeeze %dma_start3A_104 : memref<1x1x125x80xi32, #tpu.memory_space<hbm>> -> memref<125x80xi32, #tpu.memory_space<hbm>>
      %dma_start3A_106 = arith.constant 0 : i32
      %dma_start3A_107 = arith.constant 0 : i32
      %dma_start3A_108 = tpu.memref_slice %arg3[%run_scoped3A_1, %add3A, %dma_start3A_106, %dma_start3A_107] : memref<2x32x125x80xi32, #tpu.memory_space<hbm>> -> memref<1x1x125x80xi32, #tpu.memory_space<hbm>>
      %dma_start3A_109 = tpu.memref_squeeze %dma_start3A_108 : memref<1x1x125x80xi32, #tpu.memory_space<hbm>> -> memref<125x80xi32, #tpu.memory_space<hbm>>
      tpu.enqueue_dma source(%dma_start3A_109 : memref<125x80xi32, #tpu.memory_space<hbm>>) target(%arg6 : memref<125x80xi32, #tpu.memory_space<vmem>>) target_semaphore(%run_scoped3A_101 : memref<!tpu.dma_semaphore, #tpu.memory_space<semaphore_mem>>)
      %dma_wait3A_110 = arith.constant 0 : i32
      %dma_wait3A_111 = arith.constant 0 : i32
      %dma_wait3A_112 = tpu.memref_slice %arg3[%run_scoped3A_1, %add3A, %dma_wait3A_110, %dma_wait3A_111] : memref<2x32x125x80xi32, #tpu.memory_space<hbm>> -> memref<1x1x125x80xi32, #tpu.memory_space<hbm>>
      %dma_wait3A_113 = tpu.memref_squeeze %dma_wait3A_112 : memref<1x1x125x80xi32, #tpu.memory_space<hbm>> -> memref<125x80xi32, #tpu.memory_space<hbm>>
      %dma_wait3A_114 = arith.constant 0 : i32
      %dma_wait3A_115 = arith.constant 0 : i32
      %dma_wait3A_116 = tpu.memref_slice %arg3[%run_scoped3A_1, %add3A, %dma_wait3A_114, %dma_wait3A_115] : memref<2x32x125x80xi32, #tpu.memory_space<hbm>> -> memref<1x1x125x80xi32, #tpu.memory_space<hbm>>
      %dma_wait3A_117 = tpu.memref_squeeze %dma_wait3A_116 : memref<1x1x125x80xi32, #tpu.memory_space<hbm>> -> memref<125x80xi32, #tpu.memory_space<hbm>>
      tpu.wait_dma2 semaphore(%run_scoped3A_101 : memref<!tpu.dma_semaphore, #tpu.memory_space<semaphore_mem>>) src(%dma_wait3A_117 : memref<125x80xi32, #tpu.memory_space<hbm>>) dst(%arg6 : memref<125x80xi32, #tpu.memory_space<vmem>>)
      tpu.yield
    }) : () -> ()
    %dma_start3A = arith.constant 0 : i32
    %dma_start3A_2 = arith.constant 0 : i32
    %dma_start3A_3 = tpu.memref_slice %arg5[%dma_start3A, %dma_start3A_2] : memref<125x80xi32, #tpu.memory_space<vmem>> -> memref<1x80xi32, #tpu.memory_space<vmem>>
    %dma_start3A_4 = tpu.memref_squeeze %dma_start3A_3 : memref<1x80xi32, #tpu.memory_space<vmem>> -> memref<80xi32, #tpu.memory_space<vmem>>
    %dma_start3A_5 = arith.constant 0 : i32
    %dma_start3A_6 = arith.constant 0 : i32
    %dma_start3A_7 = tpu.memref_slice %arg2[%dma_start3A_5, %dma_start3A_6] : memref<10000x64xf32, #tpu.memory_space<hbm>> -> memref<10000x64xf32, #tpu.memory_space<hbm>>
    tpu.enqueue_indirect_dma source(%dma_start3A_7 : memref<10000x64xf32, #tpu.memory_space<hbm>>) target(%arg7 : memref<80x64xf32, #tpu.memory_space<vmem>>) offsets(%dma_start3A_4 : memref<80xi32, #tpu.memory_space<vmem>>) semaphore(%arg13 : memref<!tpu.dma_semaphore, #tpu.memory_space<semaphore_mem>>)
    %dma_start3A_8 = arith.constant 1 : i32
    %dma_start3A_9 = arith.constant 0 : i32
    %dma_start3A_10 = tpu.memref_slice %arg5[%dma_start3A_8, %dma_start3A_9] : memref<125x80xi32, #tpu.memory_space<vmem>> -> memref<1x80xi32, #tpu.memory_space<vmem>>
    %dma_start3A_11 = tpu.memref_squeeze %dma_start3A_10 : memref<1x80xi32, #tpu.memory_space<vmem>> -> memref<80xi32, #tpu.memory_space<vmem>>
    %dma_start3A_12 = arith.constant 0 : i32
    %dma_start3A_13 = arith.constant 0 : i32
    %dma_start3A_14 = tpu.memref_slice %arg2[%dma_start3A_12, %dma_start3A_13] : memref<10000x64xf32, #tpu.memory_space<hbm>> -> memref<10000x64xf32, #tpu.memory_space<hbm>>
    tpu.enqueue_indirect_dma source(%dma_start3A_14 : memref<10000x64xf32, #tpu.memory_space<hbm>>) target(%arg8 : memref<80x64xf32, #tpu.memory_space<vmem>>) offsets(%dma_start3A_11 : memref<80xi32, #tpu.memory_space<vmem>>) semaphore(%arg14 : memref<!tpu.dma_semaphore, #tpu.memory_space<semaphore_mem>>)
    %dma_start3A_15 = arith.constant 2 : i32
    %dma_start3A_16 = arith.constant 0 : i32
    %dma_start3A_17 = tpu.memref_slice %arg5[%dma_start3A_15, %dma_start3A_16] : memref<125x80xi32, #tpu.memory_space<vmem>> -> memref<1x80xi32, #tpu.memory_space<vmem>>
    %dma_start3A_18 = tpu.memref_squeeze %dma_start3A_17 : memref<1x80xi32, #tpu.memory_space<vmem>> -> memref<80xi32, #tpu.memory_space<vmem>>
    %dma_start3A_19 = arith.constant 0 : i32
    %dma_start3A_20 = arith.constant 0 : i32
    %dma_start3A_21 = tpu.memref_slice %arg2[%dma_start3A_19, %dma_start3A_20] : memref<10000x64xf32, #tpu.memory_space<hbm>> -> memref<10000x64xf32, #tpu.memory_space<hbm>>
    tpu.enqueue_indirect_dma source(%dma_start3A_21 : memref<10000x64xf32, #tpu.memory_space<hbm>>) target(%arg9 : memref<80x64xf32, #tpu.memory_space<vmem>>) offsets(%dma_start3A_18 : memref<80xi32, #tpu.memory_space<vmem>>) semaphore(%arg15 : memref<!tpu.dma_semaphore, #tpu.memory_space<semaphore_mem>>)
    %scan3A = arith.constant 0 : i32
    %scan3A_22 = arith.constant 0 : i32
    %scan3A_23 = arith.constant 160 : i32
    %scan3A_24 = arith.addi %scan3A_22, %scan3A_23 : i32
    %scan3A_25 = arith.constant 1 : i32
    %scan3A_26 = scf.for %scan3A_101 = %scan3A_22 to %scan3A_24 step %scan3A_25 iter_args(%scan3A_102 = %scan3A) -> (i32)  : i32 {
      %broadcast_in_dim3A = arith.constant 0.000000e+00 : f32
      %broadcast_in_dim3A_103 = vector.broadcast %broadcast_in_dim3A : f32 to vector<16xf32>
      %swap3A = arith.index_cast %scan3A_101 : i32 to index
      %swap3A_104 = arith.constant 0 : index
      %swap3A_105 = tpu.vector_load %arg11[%swap3A, %swap3A_104] {strides = array<i32>} : memref<160x64xf32, #tpu.memory_space<vmem>>, vector<1x16xf32>,
      %swap3A_106 = vector.shape_cast %swap3A_105 : vector<1x16xf32> to vector<16xf32>
      %swap3A_107 = vector.shape_cast %broadcast_in_dim3A_103 : vector<16xf32> to vector<1x16xf32>
      tpu.vector_store %arg11[%swap3A, %swap3A_104], %swap3A_107 {strides = array<i32>} : memref<160x64xf32, #tpu.memory_space<vmem>>, vector<1x16xf32>,
      %broadcast_in_dim3A_108 = arith.constant 0.000000e+00 : f32
      %broadcast_in_dim3A_109 = vector.broadcast %broadcast_in_dim3A_108 : f32 to vector<16xf32>
      %swap3A_110 = arith.index_cast %scan3A_101 : i32 to index
      %swap3A_111 = arith.constant 16 : index
      %swap3A_112 = tpu.vector_load %arg11[%swap3A_110, %swap3A_111] {strides = array<i32>} : memref<160x64xf32, #tpu.memory_space<vmem>>, vector<1x16xf32>,
      %swap3A_113 = vector.shape_cast %swap3A_112 : vector<1x16xf32> to vector<16xf32>
      %swap3A_114 = vector.shape_cast %broadcast_in_dim3A_109 : vector<16xf32> to vector<1x16xf32>
      tpu.vector_store %arg11[%swap3A_110, %swap3A_111], %swap3A_114 {strides = array<i32>} : memref<160x64xf32, #tpu.memory_space<vmem>>, vector<1x16xf32>,
      %broadcast_in_dim3A_115 = arith.constant 0.000000e+00 : f32
      %broadcast_in_dim3A_116 = vector.broadcast %broadcast_in_dim3A_115 : f32 to vector<16xf32>
      %swap3A_117 = arith.index_cast %scan3A_101 : i32 to index
      %swap3A_118 = arith.constant 32 : index
      %swap3A_119 = tpu.vector_load %arg11[%swap3A_117, %swap3A_118] {strides = array<i32>} : memref<160x64xf32, #tpu.memory_space<vmem>>, vector<1x16xf32>,
      %swap3A_120 = vector.shape_cast %swap3A_119 : vector<1x16xf32> to vector<16xf32>
      %swap3A_121 = vector.shape_cast %broadcast_in_dim3A_116 : vector<16xf32> to vector<1x16xf32>
      tpu.vector_store %arg11[%swap3A_117, %swap3A_118], %swap3A_121 {strides = array<i32>} : memref<160x64xf32, #tpu.memory_space<vmem>>, vector<1x16xf32>,
      %broadcast_in_dim3A_122 = arith.constant 0.000000e+00 : f32
      %broadcast_in_dim3A_123 = vector.broadcast %broadcast_in_dim3A_122 : f32 to vector<16xf32>
      %swap3A_124 = arith.index_cast %scan3A_101 : i32 to index
      %swap3A_125 = arith.constant 48 : index
      %swap3A_126 = tpu.vector_load %arg11[%swap3A_124, %swap3A_125] {strides = array<i32>} : memref<160x64xf32, #tpu.memory_space<vmem>>, vector<1x16xf32>,
      %swap3A_127 = vector.shape_cast %swap3A_126 : vector<1x16xf32> to vector<16xf32>
      %swap3A_128 = vector.shape_cast %broadcast_in_dim3A_123 : vector<16xf32> to vector<1x16xf32>
      tpu.vector_store %arg11[%swap3A_124, %swap3A_125], %swap3A_128 {strides = array<i32>} : memref<160x64xf32, #tpu.memory_space<vmem>>, vector<1x16xf32>,
      %scan3A_129 = arith.constant 0 : i32
      scf.yield %scan3A_129 : i32
    }
    %scan3A_27 = arith.constant 160 : i32
    %mul3A_28 = arith.constant 624 : i32
    %mul3A_29 = arith.muli %arg1, %mul3A_28 : i32
    %add3A_30 = arith.constant 0 : i32
    %add3A_31 = arith.addi %mul3A_29, %add3A_30 : i32
    "tpu.region"() ({
      %run_scoped3A_101 = tpu.sem_alloc : memref<!tpu.dma_semaphore, #tpu.memory_space<semaphore_mem>>
      %dma_start3A_102 = arith.constant 0 : i32
      %dma_start3A_103 = tpu.memref_slice %arg12[%add3A_31, %dma_start3A_102] : memref<10000x64xf32, #tpu.memory_space<vmem_shared>> -> memref<160x64xf32, #tpu.memory_space<vmem_shared>>
      %dma_start3A_104 = arith.constant 0 : i32
      %dma_start3A_105 = tpu.memref_slice %arg12[%add3A_31, %dma_start3A_104] : memref<10000x64xf32, #tpu.memory_space<vmem_shared>> -> memref<160x64xf32, #tpu.memory_space<vmem_shared>>
      tpu.enqueue_dma source(%arg11 : memref<160x64xf32, #tpu.memory_space<vmem>>) target(%dma_start3A_105 : memref<160x64xf32, #tpu.memory_space<vmem_shared>>) target_semaphore(%run_scoped3A_101 : memref<!tpu.dma_semaphore, #tpu.memory_space<semaphore_mem>>)
      %dma_wait3A_106 = arith.constant 0 : i32
      %dma_wait3A_107 = tpu.memref_slice %arg12[%add3A_31, %dma_wait3A_106] : memref<10000x64xf32, #tpu.memory_space<vmem_shared>> -> memref<160x64xf32, #tpu.memory_space<vmem_shared>>
      %dma_wait3A_108 = arith.constant 0 : i32
      %dma_wait3A_109 = tpu.memref_slice %arg12[%add3A_31, %dma_wait3A_108] : memref<10000x64xf32, #tpu.memory_space<vmem_shared>> -> memref<160x64xf32, #tpu.memory_space<vmem_shared>>
      tpu.wait_dma2 semaphore(%run_scoped3A_101 : memref<!tpu.dma_semaphore, #tpu.memory_space<semaphore_mem>>) src(%arg11 : memref<160x64xf32, #tpu.memory_space<vmem>>) dst(%dma_wait3A_109 : memref<160x64xf32, #tpu.memory_space<vmem_shared>>)
      tpu.yield
    }) : () -> ()
    %add3A_32 = arith.constant 160 : i32
    %add3A_33 = arith.addi %mul3A_29, %add3A_32 : i32
    "tpu.region"() ({
      %run_scoped3A_101 = tpu.sem_alloc : memref<!tpu.dma_semaphore, #tpu.memory_space<semaphore_mem>>
      %dma_start3A_102 = arith.constant 0 : i32
      %dma_start3A_103 = tpu.memref_slice %arg12[%add3A_33, %dma_start3A_102] : memref<10000x64xf32, #tpu.memory_space<vmem_shared>> -> memref<160x64xf32, #tpu.memory_space<vmem_shared>>
      %dma_start3A_104 = arith.constant 0 : i32
      %dma_start3A_105 = tpu.memref_slice %arg12[%add3A_33, %dma_start3A_104] : memref<10000x64xf32, #tpu.memory_space<vmem_shared>> -> memref<160x64xf32, #tpu.memory_space<vmem_shared>>
      tpu.enqueue_dma source(%arg11 : memref<160x64xf32, #tpu.memory_space<vmem>>) target(%dma_start3A_105 : memref<160x64xf32, #tpu.memory_space<vmem_shared>>) target_semaphore(%run_scoped3A_101 : memref<!tpu.dma_semaphore, #tpu.memory_space<semaphore_mem>>)
      %dma_wait3A_106 = arith.constant 0 : i32
      %dma_wait3A_107 = tpu.memref_slice %arg12[%add3A_33, %dma_wait3A_106] : memref<10000x64xf32, #tpu.memory_space<vmem_shared>> -> memref<160x64xf32, #tpu.memory_space<vmem_shared>>
      %dma_wait3A_108 = arith.constant 0 : i32
      %dma_wait3A_109 = tpu.memref_slice %arg12[%add3A_33, %dma_wait3A_108] : memref<10000x64xf32, #tpu.memory_space<vmem_shared>> -> memref<160x64xf32, #tpu.memory_space<vmem_shared>>
      tpu.wait_dma2 semaphore(%run_scoped3A_101 : memref<!tpu.dma_semaphore, #tpu.memory_space<semaphore_mem>>) src(%arg11 : memref<160x64xf32, #tpu.memory_space<vmem>>) dst(%dma_wait3A_109 : memref<160x64xf32, #tpu.memory_space<vmem_shared>>)
      tpu.yield
    }) : () -> ()
    %add3A_34 = arith.constant 320 : i32
    %add3A_35 = arith.addi %mul3A_29, %add3A_34 : i32
    "tpu.region"() ({
      %run_scoped3A_101 = tpu.sem_alloc : memref<!tpu.dma_semaphore, #tpu.memory_space<semaphore_mem>>
      %dma_start3A_102 = arith.constant 0 : i32
      %dma_start3A_103 = tpu.memref_slice %arg12[%add3A_35, %dma_start3A_102] : memref<10000x64xf32, #tpu.memory_space<vmem_shared>> -> memref<160x64xf32, #tpu.memory_space<vmem_shared>>
      %dma_start3A_104 = arith.constant 0 : i32
      %dma_start3A_105 = tpu.memref_slice %arg12[%add3A_35, %dma_start3A_104] : memref<10000x64xf32, #tpu.memory_space<vmem_shared>> -> memref<160x64xf32, #tpu.memory_space<vmem_shared>>
      tpu.enqueue_dma source(%arg11 : memref<160x64xf32, #tpu.memory_space<vmem>>) target(%dma_start3A_105 : memref<160x64xf32, #tpu.memory_space<vmem_shared>>) target_semaphore(%run_scoped3A_101 : memref<!tpu.dma_semaphore, #tpu.memory_space<semaphore_mem>>)
      %dma_wait3A_106 = arith.constant 0 : i32
      %dma_wait3A_107 = tpu.memref_slice %arg12[%add3A_35, %dma_wait3A_106] : memref<10000x64xf32, #tpu.memory_space<vmem_shared>> -> memref<160x64xf32, #tpu.memory_space<vmem_shared>>
      %dma_wait3A_108 = arith.constant 0 : i32
      %dma_wait3A_109 = tpu.memref_slice %arg12[%add3A_35, %dma_wait3A_108] : memref<10000x64xf32, #tpu.memory_space<vmem_shared>> -> memref<160x64xf32, #tpu.memory_space<vmem_shared>>
      tpu.wait_dma2 semaphore(%run_scoped3A_101 : memref<!tpu.dma_semaphore, #tpu.memory_space<semaphore_mem>>) src(%arg11 : memref<160x64xf32, #tpu.memory_space<vmem>>) dst(%dma_wait3A_109 : memref<160x64xf32, #tpu.memory_space<vmem_shared>>)
      tpu.yield
    }) : () -> ()
    %lt3A = arith.constant 15 : i32
    %lt3A_36 = arith.cmpi slt, %arg1, %lt3A : i32
    %convert_element_type3A = arith.extui %lt3A_36 : i1 to i32
    %cond3A = arith.constant 0 : i32
    %cond3A_37 = arith.cmpi ne, %convert_element_type3A, %cond3A : i32
    scf.if %cond3A_37 {
      %add3A_101 = arith.constant 480 : i32
      %add3A_102 = arith.addi %mul3A_29, %add3A_101 : i32
      "tpu.region"() ({
        %run_scoped3A_103 = tpu.sem_alloc : memref<!tpu.dma_semaphore, #tpu.memory_space<semaphore_mem>>
        %dma_start3A_104 = arith.constant 0 : i32
        %dma_start3A_105 = arith.constant 0 : i32
        %dma_start3A_106 = tpu.memref_slice %arg11[%dma_start3A_104, %dma_start3A_105] : memref<160x64xf32, #tpu.memory_space<vmem>> -> memref<144x64xf32, #tpu.memory_space<vmem>>
        %dma_start3A_107 = arith.constant 0 : i32
        %dma_start3A_108 = tpu.memref_slice %arg12[%add3A_102, %dma_start3A_107] : memref<10000x64xf32, #tpu.memory_space<vmem_shared>> -> memref<144x64xf32, #tpu.memory_space<vmem_shared>>
        %dma_start3A_109 = arith.constant 0 : i32
        %dma_start3A_110 = tpu.memref_slice %arg12[%add3A_102, %dma_start3A_109] : memref<10000x64xf32, #tpu.memory_space<vmem_shared>> -> memref<144x64xf32, #tpu.memory_space<vmem_shared>>
        %dma_start3A_111 = arith.constant 0 : i32
        %dma_start3A_112 = arith.constant 0 : i32
        %dma_start3A_113 = tpu.memref_slice %arg11[%dma_start3A_111, %dma_start3A_112] : memref<160x64xf32, #tpu.memory_space<vmem>> -> memref<144x64xf32, #tpu.memory_space<vmem>>
        tpu.enqueue_dma source(%dma_start3A_113 : memref<144x64xf32, #tpu.memory_space<vmem>>) target(%dma_start3A_110 : memref<144x64xf32, #tpu.memory_space<vmem_shared>>) target_semaphore(%run_scoped3A_103 : memref<!tpu.dma_semaphore, #tpu.memory_space<semaphore_mem>>)
        %dma_wait3A_114 = arith.constant 0 : i32
        %dma_wait3A_115 = arith.constant 0 : i32
        %dma_wait3A_116 = tpu.memref_slice %arg11[%dma_wait3A_114, %dma_wait3A_115] : memref<160x64xf32, #tpu.memory_space<vmem>> -> memref<144x64xf32, #tpu.memory_space<vmem>>
        %dma_wait3A_117 = arith.constant 0 : i32
        %dma_wait3A_118 = tpu.memref_slice %arg12[%add3A_102, %dma_wait3A_117] : memref<10000x64xf32, #tpu.memory_space<vmem_shared>> -> memref<144x64xf32, #tpu.memory_space<vmem_shared>>
        %dma_wait3A_119 = arith.constant 0 : i32
        %dma_wait3A_120 = tpu.memref_slice %arg12[%add3A_102, %dma_wait3A_119] : memref<10000x64xf32, #tpu.memory_space<vmem_shared>> -> memref<144x64xf32, #tpu.memory_space<vmem_shared>>
        %dma_wait3A_121 = arith.constant 0 : i32
        %dma_wait3A_122 = arith.constant 0 : i32
        %dma_wait3A_123 = tpu.memref_slice %arg11[%dma_wait3A_121, %dma_wait3A_122] : memref<160x64xf32, #tpu.memory_space<vmem>> -> memref<144x64xf32, #tpu.memory_space<vmem>>
        tpu.wait_dma2 semaphore(%run_scoped3A_103 : memref<!tpu.dma_semaphore, #tpu.memory_space<semaphore_mem>>) src(%dma_wait3A_123 : memref<144x64xf32, #tpu.memory_space<vmem>>) dst(%dma_wait3A_120 : memref<144x64xf32, #tpu.memory_space<vmem_shared>>)
        tpu.yield
      }) : () -> ()
    } else {
    }
    %eq3A = arith.constant 15 : i32
    %eq3A_38 = arith.cmpi eq, %arg1, %eq3A : i32
    %convert_element_type3A_39 = arith.extui %eq3A_38 : i1 to i32
    %cond3A_40 = arith.constant 0 : i32
    %cond3A_41 = arith.cmpi ne, %convert_element_type3A_39, %cond3A_40 : i32
    scf.if %cond3A_41 {
      %add3A_101 = arith.constant 480 : i32
      %add3A_102 = arith.addi %mul3A_29, %add3A_101 : i32
      "tpu.region"() ({
        %run_scoped3A_103 = tpu.sem_alloc : memref<!tpu.dma_semaphore, #tpu.memory_space<semaphore_mem>>
        %dma_start3A_104 = arith.constant 0 : i32
        %dma_start3A_105 = tpu.memref_slice %arg12[%add3A_102, %dma_start3A_104] : memref<10000x64xf32, #tpu.memory_space<vmem_shared>> -> memref<160x64xf32, #tpu.memory_space<vmem_shared>>
        %dma_start3A_106 = arith.constant 0 : i32
        %dma_start3A_107 = tpu.memref_slice %arg12[%add3A_102, %dma_start3A_106] : memref<10000x64xf32, #tpu.memory_space<vmem_shared>> -> memref<160x64xf32, #tpu.memory_space<vmem_shared>>
        tpu.enqueue_dma source(%arg11 : memref<160x64xf32, #tpu.memory_space<vmem>>) target(%dma_start3A_107 : memref<160x64xf32, #tpu.memory_space<vmem_shared>>) target_semaphore(%run_scoped3A_103 : memref<!tpu.dma_semaphore, #tpu.memory_space<semaphore_mem>>)
        %dma_wait3A_108 = arith.constant 0 : i32
        %dma_wait3A_109 = tpu.memref_slice %arg12[%add3A_102, %dma_wait3A_108] : memref<10000x64xf32, #tpu.memory_space<vmem_shared>> -> memref<160x64xf32, #tpu.memory_space<vmem_shared>>
        %dma_wait3A_110 = arith.constant 0 : i32
        %dma_wait3A_111 = tpu.memref_slice %arg12[%add3A_102, %dma_wait3A_110] : memref<10000x64xf32, #tpu.memory_space<vmem_shared>> -> memref<160x64xf32, #tpu.memory_space<vmem_shared>>
        tpu.wait_dma2 semaphore(%run_scoped3A_103 : memref<!tpu.dma_semaphore, #tpu.memory_space<semaphore_mem>>) src(%arg11 : memref<160x64xf32, #tpu.memory_space<vmem>>) dst(%dma_wait3A_111 : memref<160x64xf32, #tpu.memory_space<vmem_shared>>)
        tpu.yield
      }) : () -> ()
    } else {
    }
    %barrier3A = arith.constant 0 : index
    tpu.barrier barrier_id(%barrier3A)
    %scan3A_42 = arith.constant 0 : i32
    %scan3A_43 = arith.constant 0 : i32
    %scan3A_44 = arith.constant 31 : i32
    %scan3A_45 = arith.addi %scan3A_43, %scan3A_44 : i32
    %scan3A_46 = arith.constant 1 : i32
    %scan3A_47 = scf.for %scan3A_101 = %scan3A_43 to %scan3A_45 step %scan3A_46 iter_args(%scan3A_102 = %scan3A_42) -> (i32)  : i32 {
      %mul3A_103 = arith.constant 4 : i32
      %mul3A_104 = arith.muli %mul3A_103, %scan3A_101 : i32
      %add3A_105 = arith.constant 0 : i32
      %add3A_106 = arith.addi %mul3A_104, %add3A_105 : i32
      %dma_wait3A_107 = arith.constant 0 : i32
      %dma_wait3A_108 = tpu.memref_slice %arg5[%add3A_106, %dma_wait3A_107] : memref<125x80xi32, #tpu.memory_space<vmem>> -> memref<1x80xi32, #tpu.memory_space<vmem>>
      %dma_wait3A_109 = tpu.memref_squeeze %dma_wait3A_108 : memref<1x80xi32, #tpu.memory_space<vmem>> -> memref<80xi32, #tpu.memory_space<vmem>>
      %dma_wait3A_110 = arith.constant 0 : i32
      %dma_wait3A_111 = arith.constant 0 : i32
      %dma_wait3A_112 = tpu.memref_slice %arg2[%dma_wait3A_110, %dma_wait3A_111] : memref<10000x64xf32, #tpu.memory_space<hbm>> -> memref<10000x64xf32, #tpu.memory_space<hbm>>
      tpu.wait_indirect_dma semaphore(%arg13 : memref<!tpu.dma_semaphore, #tpu.memory_space<semaphore_mem>>) src(%dma_wait3A_112 : memref<10000x64xf32, #tpu.memory_space<hbm>>) dst(%arg7 : memref<80x64xf32, #tpu.memory_space<vmem>>)
      %dma_start3A_113 = arith.constant 0 : i32
      %dma_start3A_114 = tpu.memref_slice %arg6[%add3A_106, %dma_start3A_113] : memref<125x80xi32, #tpu.memory_space<vmem>> -> memref<1x80xi32, #tpu.memory_space<vmem>>
      %dma_start3A_115 = tpu.memref_squeeze %dma_start3A_114 : memref<1x80xi32, #tpu.memory_space<vmem>> -> memref<80xi32, #tpu.memory_space<vmem>>
      %dma_start3A_116 = arith.constant 0 : i32
      %dma_start3A_117 = arith.constant 0 : i32
      %dma_start3A_118 = tpu.memref_slice %arg12[%dma_start3A_116, %dma_start3A_117] : memref<10000x64xf32, #tpu.memory_space<vmem_shared>> -> memref<10000x64xf32, #tpu.memory_space<vmem_shared>>
      tpu.enqueue_indirect_dma source(%arg7 : memref<80x64xf32, #tpu.memory_space<vmem>>) target(%dma_start3A_118 : memref<10000x64xf32, #tpu.memory_space<vmem_shared>>) offsets(%dma_start3A_115 : memref<80xi32, #tpu.memory_space<vmem>>) semaphore(%arg17 : memref<!tpu.dma_semaphore, #tpu.memory_space<semaphore_mem>>) {add = true}
      %add3A_119 = arith.constant 3 : i32
      %add3A_120 = arith.addi %add3A_106, %add3A_119 : i32
      %lt3A_121 = arith.constant 125 : i32
      %lt3A_122 = arith.cmpi slt, %add3A_120, %lt3A_121 : i32
      %convert_element_type3A_123 = arith.extui %lt3A_122 : i1 to i32
      %cond3A_124 = arith.constant 0 : i32
      %cond3A_125 = arith.cmpi ne, %convert_element_type3A_123, %cond3A_124 : i32
      scf.if %cond3A_125 {
        %ge3A = arith.constant 1 : i32
        %ge3A_196 = arith.cmpi sge, %add3A_106, %ge3A : i32
        %convert_element_type3A_197 = arith.extui %ge3A_196 : i1 to i32
        %cond3A_198 = arith.constant 0 : i32
        %cond3A_199 = arith.cmpi ne, %convert_element_type3A_197, %cond3A_198 : i32
        scf.if %cond3A_199 {
          %sub3A = arith.constant 1 : i32
          %sub3A_208 = arith.subi %add3A_106, %sub3A : i32
          %dma_wait3A_209 = arith.constant 0 : i32
          %dma_wait3A_210 = tpu.memref_slice %arg6[%sub3A_208, %dma_wait3A_209] : memref<125x80xi32, #tpu.memory_space<vmem>> -> memref<1x80xi32, #tpu.memory_space<vmem>>
          %dma_wait3A_211 = tpu.memref_squeeze %dma_wait3A_210 : memref<1x80xi32, #tpu.memory_space<vmem>> -> memref<80xi32, #tpu.memory_space<vmem>>
          %dma_wait3A_212 = arith.constant 0 : i32
          %dma_wait3A_213 = arith.constant 0 : i32
          %dma_wait3A_214 = tpu.memref_slice %arg12[%dma_wait3A_212, %dma_wait3A_213] : memref<10000x64xf32, #tpu.memory_space<vmem_shared>> -> memref<10000x64xf32, #tpu.memory_space<vmem_shared>>
          tpu.wait_indirect_dma semaphore(%arg20 : memref<!tpu.dma_semaphore, #tpu.memory_space<semaphore_mem>>) src(%arg10 : memref<80x64xf32, #tpu.memory_space<vmem>>) dst(%dma_wait3A_214 : memref<10000x64xf32, #tpu.memory_space<vmem_shared>>)
        } else {
        }
        %add3A_200 = arith.constant 3 : i32
        %add3A_201 = arith.addi %add3A_106, %add3A_200 : i32
        %dma_start3A_202 = arith.constant 0 : i32
        %dma_start3A_203 = tpu.memref_slice %arg5[%add3A_201, %dma_start3A_202] : memref<125x80xi32, #tpu.memory_space<vmem>> -> memref<1x80xi32, #tpu.memory_space<vmem>>
        %dma_start3A_204 = tpu.memref_squeeze %dma_start3A_203 : memref<1x80xi32, #tpu.memory_space<vmem>> -> memref<80xi32, #tpu.memory_space<vmem>>
        %dma_start3A_205 = arith.constant 0 : i32
        %dma_start3A_206 = arith.constant 0 : i32
        %dma_start3A_207 = tpu.memref_slice %arg2[%dma_start3A_205, %dma_start3A_206] : memref<10000x64xf32, #tpu.memory_space<hbm>> -> memref<10000x64xf32, #tpu.memory_space<hbm>>
        tpu.enqueue_indirect_dma source(%dma_start3A_207 : memref<10000x64xf32, #tpu.memory_space<hbm>>) target(%arg10 : memref<80x64xf32, #tpu.memory_space<vmem>>) offsets(%dma_start3A_204 : memref<80xi32, #tpu.memory_space<vmem>>) semaphore(%arg16 : memref<!tpu.dma_semaphore, #tpu.memory_space<semaphore_mem>>)
      } else {
      }
      %mul3A_126 = arith.constant 4 : i32
      %mul3A_127 = arith.muli %mul3A_126, %scan3A_101 : i32
      %add3A_128 = arith.constant 1 : i32
      %add3A_129 = arith.addi %mul3A_127, %add3A_128 : i32
      %dma_wait3A_130 = arith.constant 0 : i32
      %dma_wait3A_131 = tpu.memref_slice %arg5[%add3A_129, %dma_wait3A_130] : memref<125x80xi32, #tpu.memory_space<vmem>> -> memref<1x80xi32, #tpu.memory_space<vmem>>
      %dma_wait3A_132 = tpu.memref_squeeze %dma_wait3A_131 : memref<1x80xi32, #tpu.memory_space<vmem>> -> memref<80xi32, #tpu.memory_space<vmem>>
      %dma_wait3A_133 = arith.constant 0 : i32
      %dma_wait3A_134 = arith.constant 0 : i32
      %dma_wait3A_135 = tpu.memref_slice %arg2[%dma_wait3A_133, %dma_wait3A_134] : memref<10000x64xf32, #tpu.memory_space<hbm>> -> memref<10000x64xf32, #tpu.memory_space<hbm>>
      tpu.wait_indirect_dma semaphore(%arg14 : memref<!tpu.dma_semaphore, #tpu.memory_space<semaphore_mem>>) src(%dma_wait3A_135 : memref<10000x64xf32, #tpu.memory_space<hbm>>) dst(%arg8 : memref<80x64xf32, #tpu.memory_space<vmem>>)
      %dma_start3A_136 = arith.constant 0 : i32
      %dma_start3A_137 = tpu.memref_slice %arg6[%add3A_129, %dma_start3A_136] : memref<125x80xi32, #tpu.memory_space<vmem>> -> memref<1x80xi32, #tpu.memory_space<vmem>>
      %dma_start3A_138 = tpu.memref_squeeze %dma_start3A_137 : memref<1x80xi32, #tpu.memory_space<vmem>> -> memref<80xi32, #tpu.memory_space<vmem>>
      %dma_start3A_139 = arith.constant 0 : i32
      %dma_start3A_140 = arith.constant 0 : i32
      %dma_start3A_141 = tpu.memref_slice %arg12[%dma_start3A_139, %dma_start3A_140] : memref<10000x64xf32, #tpu.memory_space<vmem_shared>> -> memref<10000x64xf32, #tpu.memory_space<vmem_shared>>
      tpu.enqueue_indirect_dma source(%arg8 : memref<80x64xf32, #tpu.memory_space<vmem>>) target(%dma_start3A_141 : memref<10000x64xf32, #tpu.memory_space<vmem_shared>>) offsets(%dma_start3A_138 : memref<80xi32, #tpu.memory_space<vmem>>) semaphore(%arg18 : memref<!tpu.dma_semaphore, #tpu.memory_space<semaphore_mem>>) {add = true}
      %add3A_142 = arith.constant 3 : i32
      %add3A_143 = arith.addi %add3A_129, %add3A_142 : i32
      %lt3A_144 = arith.constant 125 : i32
      %lt3A_145 = arith.cmpi slt, %add3A_143, %lt3A_144 : i32
      %convert_element_type3A_146 = arith.extui %lt3A_145 : i1 to i32
      %cond3A_147 = arith.constant 0 : i32
      %cond3A_148 = arith.cmpi ne, %convert_element_type3A_146, %cond3A_147 : i32
      scf.if %cond3A_148 {
        %ge3A = arith.constant 1 : i32
        %ge3A_196 = arith.cmpi sge, %add3A_129, %ge3A : i32
        %convert_element_type3A_197 = arith.extui %ge3A_196 : i1 to i32
        %cond3A_198 = arith.constant 0 : i32
        %cond3A_199 = arith.cmpi ne, %convert_element_type3A_197, %cond3A_198 : i32
        scf.if %cond3A_199 {
          %sub3A = arith.constant 1 : i32
          %sub3A_208 = arith.subi %add3A_129, %sub3A : i32
          %dma_wait3A_209 = arith.constant 0 : i32
          %dma_wait3A_210 = tpu.memref_slice %arg6[%sub3A_208, %dma_wait3A_209] : memref<125x80xi32, #tpu.memory_space<vmem>> -> memref<1x80xi32, #tpu.memory_space<vmem>>
          %dma_wait3A_211 = tpu.memref_squeeze %dma_wait3A_210 : memref<1x80xi32, #tpu.memory_space<vmem>> -> memref<80xi32, #tpu.memory_space<vmem>>
          %dma_wait3A_212 = arith.constant 0 : i32
          %dma_wait3A_213 = arith.constant 0 : i32
          %dma_wait3A_214 = tpu.memref_slice %arg12[%dma_wait3A_212, %dma_wait3A_213] : memref<10000x64xf32, #tpu.memory_space<vmem_shared>> -> memref<10000x64xf32, #tpu.memory_space<vmem_shared>>
          tpu.wait_indirect_dma semaphore(%arg17 : memref<!tpu.dma_semaphore, #tpu.memory_space<semaphore_mem>>) src(%arg7 : memref<80x64xf32, #tpu.memory_space<vmem>>) dst(%dma_wait3A_214 : memref<10000x64xf32, #tpu.memory_space<vmem_shared>>)
        } else {
        }
        %add3A_200 = arith.constant 3 : i32
        %add3A_201 = arith.addi %add3A_129, %add3A_200 : i32
        %dma_start3A_202 = arith.constant 0 : i32
        %dma_start3A_203 = tpu.memref_slice %arg5[%add3A_201, %dma_start3A_202] : memref<125x80xi32, #tpu.memory_space<vmem>> -> memref<1x80xi32, #tpu.memory_space<vmem>>
        %dma_start3A_204 = tpu.memref_squeeze %dma_start3A_203 : memref<1x80xi32, #tpu.memory_space<vmem>> -> memref<80xi32, #tpu.memory_space<vmem>>
        %dma_start3A_205 = arith.constant 0 : i32
        %dma_start3A_206 = arith.constant 0 : i32
        %dma_start3A_207 = tpu.memref_slice %arg2[%dma_start3A_205, %dma_start3A_206] : memref<10000x64xf32, #tpu.memory_space<hbm>> -> memref<10000x64xf32, #tpu.memory_space<hbm>>
        tpu.enqueue_indirect_dma source(%dma_start3A_207 : memref<10000x64xf32, #tpu.memory_space<hbm>>) target(%arg7 : memref<80x64xf32, #tpu.memory_space<vmem>>) offsets(%dma_start3A_204 : memref<80xi32, #tpu.memory_space<vmem>>) semaphore(%arg13 : memref<!tpu.dma_semaphore, #tpu.memory_space<semaphore_mem>>)
      } else {
      }
      %mul3A_149 = arith.constant 4 : i32
      %mul3A_150 = arith.muli %mul3A_149, %scan3A_101 : i32
      %add3A_151 = arith.constant 2 : i32
      %add3A_152 = arith.addi %mul3A_150, %add3A_151 : i32
      %dma_wait3A_153 = arith.constant 0 : i32
      %dma_wait3A_154 = tpu.memref_slice %arg5[%add3A_152, %dma_wait3A_153] : memref<125x80xi32, #tpu.memory_space<vmem>> -> memref<1x80xi32, #tpu.memory_space<vmem>>
      %dma_wait3A_155 = tpu.memref_squeeze %dma_wait3A_154 : memref<1x80xi32, #tpu.memory_space<vmem>> -> memref<80xi32, #tpu.memory_space<vmem>>
      %dma_wait3A_156 = arith.constant 0 : i32
      %dma_wait3A_157 = arith.constant 0 : i32
      %dma_wait3A_158 = tpu.memref_slice %arg2[%dma_wait3A_156, %dma_wait3A_157] : memref<10000x64xf32, #tpu.memory_space<hbm>> -> memref<10000x64xf32, #tpu.memory_space<hbm>>
      tpu.wait_indirect_dma semaphore(%arg15 : memref<!tpu.dma_semaphore, #tpu.memory_space<semaphore_mem>>) src(%dma_wait3A_158 : memref<10000x64xf32, #tpu.memory_space<hbm>>) dst(%arg9 : memref<80x64xf32, #tpu.memory_space<vmem>>)
      %dma_start3A_159 = arith.constant 0 : i32
      %dma_start3A_160 = tpu.memref_slice %arg6[%add3A_152, %dma_start3A_159] : memref<125x80xi32, #tpu.memory_space<vmem>> -> memref<1x80xi32, #tpu.memory_space<vmem>>
      %dma_start3A_161 = tpu.memref_squeeze %dma_start3A_160 : memref<1x80xi32, #tpu.memory_space<vmem>> -> memref<80xi32, #tpu.memory_space<vmem>>
      %dma_start3A_162 = arith.constant 0 : i32
      %dma_start3A_163 = arith.constant 0 : i32
      %dma_start3A_164 = tpu.memref_slice %arg12[%dma_start3A_162, %dma_start3A_163] : memref<10000x64xf32, #tpu.memory_space<vmem_shared>> -> memref<10000x64xf32, #tpu.memory_space<vmem_shared>>
      tpu.enqueue_indirect_dma source(%arg9 : memref<80x64xf32, #tpu.memory_space<vmem>>) target(%dma_start3A_164 : memref<10000x64xf32, #tpu.memory_space<vmem_shared>>) offsets(%dma_start3A_161 : memref<80xi32, #tpu.memory_space<vmem>>) semaphore(%arg19 : memref<!tpu.dma_semaphore, #tpu.memory_space<semaphore_mem>>) {add = true}
      %add3A_165 = arith.constant 3 : i32
      %add3A_166 = arith.addi %add3A_152, %add3A_165 : i32
      %lt3A_167 = arith.constant 125 : i32
      %lt3A_168 = arith.cmpi slt, %add3A_166, %lt3A_167 : i32
      %convert_element_type3A_169 = arith.extui %lt3A_168 : i1 to i32
      %cond3A_170 = arith.constant 0 : i32
      %cond3A_171 = arith.cmpi ne, %convert_element_type3A_169, %cond3A_170 : i32
      scf.if %cond3A_171 {
        %ge3A = arith.constant 1 : i32
        %ge3A_196 = arith.cmpi sge, %add3A_152, %ge3A : i32
        %convert_element_type3A_197 = arith.extui %ge3A_196 : i1 to i32
        %cond3A_198 = arith.constant 0 : i32
        %cond3A_199 = arith.cmpi ne, %convert_element_type3A_197, %cond3A_198 : i32
        scf.if %cond3A_199 {
          %sub3A = arith.constant 1 : i32
          %sub3A_208 = arith.subi %add3A_152, %sub3A : i32
          %dma_wait3A_209 = arith.constant 0 : i32
          %dma_wait3A_210 = tpu.memref_slice %arg6[%sub3A_208, %dma_wait3A_209] : memref<125x80xi32, #tpu.memory_space<vmem>> -> memref<1x80xi32, #tpu.memory_space<vmem>>
          %dma_wait3A_211 = tpu.memref_squeeze %dma_wait3A_210 : memref<1x80xi32, #tpu.memory_space<vmem>> -> memref<80xi32, #tpu.memory_space<vmem>>
          %dma_wait3A_212 = arith.constant 0 : i32
          %dma_wait3A_213 = arith.constant 0 : i32
          %dma_wait3A_214 = tpu.memref_slice %arg12[%dma_wait3A_212, %dma_wait3A_213] : memref<10000x64xf32, #tpu.memory_space<vmem_shared>> -> memref<10000x64xf32, #tpu.memory_space<vmem_shared>>
          tpu.wait_indirect_dma semaphore(%arg18 : memref<!tpu.dma_semaphore, #tpu.memory_space<semaphore_mem>>) src(%arg8 : memref<80x64xf32, #tpu.memory_space<vmem>>) dst(%dma_wait3A_214 : memref<10000x64xf32, #tpu.memory_space<vmem_shared>>)
        } else {
        }
        %add3A_200 = arith.constant 3 : i32
        %add3A_201 = arith.addi %add3A_152, %add3A_200 : i32
        %dma_start3A_202 = arith.constant 0 : i32
        %dma_start3A_203 = tpu.memref_slice %arg5[%add3A_201, %dma_start3A_202] : memref<125x80xi32, #tpu.memory_space<vmem>> -> memref<1x80xi32, #tpu.memory_space<vmem>>
        %dma_start3A_204 = tpu.memref_squeeze %dma_start3A_203 : memref<1x80xi32, #tpu.memory_space<vmem>> -> memref<80xi32, #tpu.memory_space<vmem>>
        %dma_start3A_205 = arith.constant 0 : i32
        %dma_start3A_206 = arith.constant 0 : i32
        %dma_start3A_207 = tpu.memref_slice %arg2[%dma_start3A_205, %dma_start3A_206] : memref<10000x64xf32, #tpu.memory_space<hbm>> -> memref<10000x64xf32, #tpu.memory_space<hbm>>
        tpu.enqueue_indirect_dma source(%dma_start3A_207 : memref<10000x64xf32, #tpu.memory_space<hbm>>) target(%arg8 : memref<80x64xf32, #tpu.memory_space<vmem>>) offsets(%dma_start3A_204 : memref<80xi32, #tpu.memory_space<vmem>>) semaphore(%arg14 : memref<!tpu.dma_semaphore, #tpu.memory_space<semaphore_mem>>)
      } else {
      }
      %mul3A_172 = arith.constant 4 : i32
      %mul3A_173 = arith.muli %mul3A_172, %scan3A_101 : i32
      %add3A_174 = arith.constant 3 : i32
      %add3A_175 = arith.addi %mul3A_173, %add3A_174 : i32
      %dma_wait3A_176 = arith.constant 0 : i32
      %dma_wait3A_177 = tpu.memref_slice %arg5[%add3A_175, %dma_wait3A_176] : memref<125x80xi32, #tpu.memory_space<vmem>> -> memref<1x80xi32, #tpu.memory_space<vmem>>
      %dma_wait3A_178 = tpu.memref_squeeze %dma_wait3A_177 : memref<1x80xi32, #tpu.memory_space<vmem>> -> memref<80xi32, #tpu.memory_space<vmem>>
      %dma_wait3A_179 = arith.constant 0 : i32
      %dma_wait3A_180 = arith.constant 0 : i32
      %dma_wait3A_181 = tpu.memref_slice %arg2[%dma_wait3A_179, %dma_wait3A_180] : memref<10000x64xf32, #tpu.memory_space<hbm>> -> memref<10000x64xf32, #tpu.memory_space<hbm>>
      tpu.wait_indirect_dma semaphore(%arg16 : memref<!tpu.dma_semaphore, #tpu.memory_space<semaphore_mem>>) src(%dma_wait3A_181 : memref<10000x64xf32, #tpu.memory_space<hbm>>) dst(%arg10 : memref<80x64xf32, #tpu.memory_space<vmem>>)
      %dma_start3A_182 = arith.constant 0 : i32
      %dma_start3A_183 = tpu.memref_slice %arg6[%add3A_175, %dma_start3A_182] : memref<125x80xi32, #tpu.memory_space<vmem>> -> memref<1x80xi32, #tpu.memory_space<vmem>>
      %dma_start3A_184 = tpu.memref_squeeze %dma_start3A_183 : memref<1x80xi32, #tpu.memory_space<vmem>> -> memref<80xi32, #tpu.memory_space<vmem>>
      %dma_start3A_185 = arith.constant 0 : i32
      %dma_start3A_186 = arith.constant 0 : i32
      %dma_start3A_187 = tpu.memref_slice %arg12[%dma_start3A_185, %dma_start3A_186] : memref<10000x64xf32, #tpu.memory_space<vmem_shared>> -> memref<10000x64xf32, #tpu.memory_space<vmem_shared>>
      tpu.enqueue_indirect_dma source(%arg10 : memref<80x64xf32, #tpu.memory_space<vmem>>) target(%dma_start3A_187 : memref<10000x64xf32, #tpu.memory_space<vmem_shared>>) offsets(%dma_start3A_184 : memref<80xi32, #tpu.memory_space<vmem>>) semaphore(%arg20 : memref<!tpu.dma_semaphore, #tpu.memory_space<semaphore_mem>>) {add = true}
      %add3A_188 = arith.constant 3 : i32
      %add3A_189 = arith.addi %add3A_175, %add3A_188 : i32
      %lt3A_190 = arith.constant 125 : i32
      %lt3A_191 = arith.cmpi slt, %add3A_189, %lt3A_190 : i32
      %convert_element_type3A_192 = arith.extui %lt3A_191 : i1 to i32
      %cond3A_193 = arith.constant 0 : i32
      %cond3A_194 = arith.cmpi ne, %convert_element_type3A_192, %cond3A_193 : i32
      scf.if %cond3A_194 {
        %ge3A = arith.constant 1 : i32
        %ge3A_196 = arith.cmpi sge, %add3A_175, %ge3A : i32
        %convert_element_type3A_197 = arith.extui %ge3A_196 : i1 to i32
        %cond3A_198 = arith.constant 0 : i32
        %cond3A_199 = arith.cmpi ne, %convert_element_type3A_197, %cond3A_198 : i32
        scf.if %cond3A_199 {
          %sub3A = arith.constant 1 : i32
          %sub3A_208 = arith.subi %add3A_175, %sub3A : i32
          %dma_wait3A_209 = arith.constant 0 : i32
          %dma_wait3A_210 = tpu.memref_slice %arg6[%sub3A_208, %dma_wait3A_209] : memref<125x80xi32, #tpu.memory_space<vmem>> -> memref<1x80xi32, #tpu.memory_space<vmem>>
          %dma_wait3A_211 = tpu.memref_squeeze %dma_wait3A_210 : memref<1x80xi32, #tpu.memory_space<vmem>> -> memref<80xi32, #tpu.memory_space<vmem>>
          %dma_wait3A_212 = arith.constant 0 : i32
          %dma_wait3A_213 = arith.constant 0 : i32
          %dma_wait3A_214 = tpu.memref_slice %arg12[%dma_wait3A_212, %dma_wait3A_213] : memref<10000x64xf32, #tpu.memory_space<vmem_shared>> -> memref<10000x64xf32, #tpu.memory_space<vmem_shared>>
          tpu.wait_indirect_dma semaphore(%arg19 : memref<!tpu.dma_semaphore, #tpu.memory_space<semaphore_mem>>) src(%arg9 : memref<80x64xf32, #tpu.memory_space<vmem>>) dst(%dma_wait3A_214 : memref<10000x64xf32, #tpu.memory_space<vmem_shared>>)
        } else {
        }
        %add3A_200 = arith.constant 3 : i32
        %add3A_201 = arith.addi %add3A_175, %add3A_200 : i32
        %dma_start3A_202 = arith.constant 0 : i32
        %dma_start3A_203 = tpu.memref_slice %arg5[%add3A_201, %dma_start3A_202] : memref<125x80xi32, #tpu.memory_space<vmem>> -> memref<1x80xi32, #tpu.memory_space<vmem>>
        %dma_start3A_204 = tpu.memref_squeeze %dma_start3A_203 : memref<1x80xi32, #tpu.memory_space<vmem>> -> memref<80xi32, #tpu.memory_space<vmem>>
        %dma_start3A_205 = arith.constant 0 : i32
        %dma_start3A_206 = arith.constant 0 : i32
        %dma_start3A_207 = tpu.memref_slice %arg2[%dma_start3A_205, %dma_start3A_206] : memref<10000x64xf32, #tpu.memory_space<hbm>> -> memref<10000x64xf32, #tpu.memory_space<hbm>>
        tpu.enqueue_indirect_dma source(%dma_start3A_207 : memref<10000x64xf32, #tpu.memory_space<hbm>>) target(%arg9 : memref<80x64xf32, #tpu.memory_space<vmem>>) offsets(%dma_start3A_204 : memref<80xi32, #tpu.memory_space<vmem>>) semaphore(%arg15 : memref<!tpu.dma_semaphore, #tpu.memory_space<semaphore_mem>>)
      } else {
      }
      %scan3A_195 = arith.constant 0 : i32
      scf.yield %scan3A_195 : i32
    }
    %scan3A_48 = arith.constant 31 : i32
    %dma_wait3A = arith.constant 124 : i32
    %dma_wait3A_49 = arith.constant 0 : i32
    %dma_wait3A_50 = tpu.memref_slice %arg5[%dma_wait3A, %dma_wait3A_49] : memref<125x80xi32, #tpu.memory_space<vmem>> -> memref<1x80xi32, #tpu.memory_space<vmem>>
    %dma_wait3A_51 = tpu.memref_squeeze %dma_wait3A_50 : memref<1x80xi32, #tpu.memory_space<vmem>> -> memref<80xi32, #tpu.memory_space<vmem>>
    %dma_wait3A_52 = arith.constant 0 : i32
    %dma_wait3A_53 = arith.constant 0 : i32
    %dma_wait3A_54 = tpu.memref_slice %arg2[%dma_wait3A_52, %dma_wait3A_53] : memref<10000x64xf32, #tpu.memory_space<hbm>> -> memref<10000x64xf32, #tpu.memory_space<hbm>>
    tpu.wait_indirect_dma semaphore(%arg13 : memref<!tpu.dma_semaphore, #tpu.memory_space<semaphore_mem>>) src(%dma_wait3A_54 : memref<10000x64xf32, #tpu.memory_space<hbm>>) dst(%arg7 : memref<80x64xf32, #tpu.memory_space<vmem>>)
    %dma_start3A_55 = arith.constant 124 : i32
    %dma_start3A_56 = arith.constant 0 : i32
    %dma_start3A_57 = tpu.memref_slice %arg6[%dma_start3A_55, %dma_start3A_56] : memref<125x80xi32, #tpu.memory_space<vmem>> -> memref<1x80xi32, #tpu.memory_space<vmem>>
    %dma_start3A_58 = tpu.memref_squeeze %dma_start3A_57 : memref<1x80xi32, #tpu.memory_space<vmem>> -> memref<80xi32, #tpu.memory_space<vmem>>
    %dma_start3A_59 = arith.constant 0 : i32
    %dma_start3A_60 = arith.constant 0 : i32
    %dma_start3A_61 = tpu.memref_slice %arg12[%dma_start3A_59, %dma_start3A_60] : memref<10000x64xf32, #tpu.memory_space<vmem_shared>> -> memref<10000x64xf32, #tpu.memory_space<vmem_shared>>
    tpu.enqueue_indirect_dma source(%arg7 : memref<80x64xf32, #tpu.memory_space<vmem>>) target(%dma_start3A_61 : memref<10000x64xf32, #tpu.memory_space<vmem_shared>>) offsets(%dma_start3A_58 : memref<80xi32, #tpu.memory_space<vmem>>) semaphore(%arg17 : memref<!tpu.dma_semaphore, #tpu.memory_space<semaphore_mem>>) {add = true}
    %dma_wait3A_62 = arith.constant 124 : i32
    %dma_wait3A_63 = arith.constant 0 : i32
    %dma_wait3A_64 = tpu.memref_slice %arg6[%dma_wait3A_62, %dma_wait3A_63] : memref<125x80xi32, #tpu.memory_space<vmem>> -> memref<1x80xi32, #tpu.memory_space<vmem>>
    %dma_wait3A_65 = tpu.memref_squeeze %dma_wait3A_64 : memref<1x80xi32, #tpu.memory_space<vmem>> -> memref<80xi32, #tpu.memory_space<vmem>>
    %dma_wait3A_66 = arith.constant 0 : i32
    %dma_wait3A_67 = arith.constant 0 : i32
    %dma_wait3A_68 = tpu.memref_slice %arg12[%dma_wait3A_66, %dma_wait3A_67] : memref<10000x64xf32, #tpu.memory_space<vmem_shared>> -> memref<10000x64xf32, #tpu.memory_space<vmem_shared>>
    tpu.wait_indirect_dma semaphore(%arg17 : memref<!tpu.dma_semaphore, #tpu.memory_space<semaphore_mem>>) src(%arg7 : memref<80x64xf32, #tpu.memory_space<vmem>>) dst(%dma_wait3A_68 : memref<10000x64xf32, #tpu.memory_space<vmem_shared>>)
    %dma_wait3A_69 = arith.constant 121 : i32
    %dma_wait3A_70 = arith.constant 0 : i32
    %dma_wait3A_71 = tpu.memref_slice %arg6[%dma_wait3A_69, %dma_wait3A_70] : memref<125x80xi32, #tpu.memory_space<vmem>> -> memref<1x80xi32, #tpu.memory_space<vmem>>
    %dma_wait3A_72 = tpu.memref_squeeze %dma_wait3A_71 : memref<1x80xi32, #tpu.memory_space<vmem>> -> memref<80xi32, #tpu.memory_space<vmem>>
    %dma_wait3A_73 = arith.constant 0 : i32
    %dma_wait3A_74 = arith.constant 0 : i32
    %dma_wait3A_75 = tpu.memref_slice %arg12[%dma_wait3A_73, %dma_wait3A_74] : memref<10000x64xf32, #tpu.memory_space<vmem_shared>> -> memref<10000x64xf32, #tpu.memory_space<vmem_shared>>
    tpu.wait_indirect_dma semaphore(%arg18 : memref<!tpu.dma_semaphore, #tpu.memory_space<semaphore_mem>>) src(%arg8 : memref<80x64xf32, #tpu.memory_space<vmem>>) dst(%dma_wait3A_75 : memref<10000x64xf32, #tpu.memory_space<vmem_shared>>)
    %dma_wait3A_76 = arith.constant 122 : i32
    %dma_wait3A_77 = arith.constant 0 : i32
    %dma_wait3A_78 = tpu.memref_slice %arg6[%dma_wait3A_76, %dma_wait3A_77] : memref<125x80xi32, #tpu.memory_space<vmem>> -> memref<1x80xi32, #tpu.memory_space<vmem>>
    %dma_wait3A_79 = tpu.memref_squeeze %dma_wait3A_78 : memref<1x80xi32, #tpu.memory_space<vmem>> -> memref<80xi32, #tpu.memory_space<vmem>>
    %dma_wait3A_80 = arith.constant 0 : i32
    %dma_wait3A_81 = arith.constant 0 : i32
    %dma_wait3A_82 = tpu.memref_slice %arg12[%dma_wait3A_80, %dma_wait3A_81] : memref<10000x64xf32, #tpu.memory_space<vmem_shared>> -> memref<10000x64xf32, #tpu.memory_space<vmem_shared>>
    tpu.wait_indirect_dma semaphore(%arg19 : memref<!tpu.dma_semaphore, #tpu.memory_space<semaphore_mem>>) src(%arg9 : memref<80x64xf32, #tpu.memory_space<vmem>>) dst(%dma_wait3A_82 : memref<10000x64xf32, #tpu.memory_space<vmem_shared>>)
    %dma_wait3A_83 = arith.constant 123 : i32
    %dma_wait3A_84 = arith.constant 0 : i32
    %dma_wait3A_85 = tpu.memref_slice %arg6[%dma_wait3A_83, %dma_wait3A_84] : memref<125x80xi32, #tpu.memory_space<vmem>> -> memref<1x80xi32, #tpu.memory_space<vmem>>
    %dma_wait3A_86 = tpu.memref_squeeze %dma_wait3A_85 : memref<1x80xi32, #tpu.memory_space<vmem>> -> memref<80xi32, #tpu.memory_space<vmem>>
    %dma_wait3A_87 = arith.constant 0 : i32
    %dma_wait3A_88 = arith.constant 0 : i32
    %dma_wait3A_89 = tpu.memref_slice %arg12[%dma_wait3A_87, %dma_wait3A_88] : memref<10000x64xf32, #tpu.memory_space<vmem_shared>> -> memref<10000x64xf32, #tpu.memory_space<vmem_shared>>
    tpu.wait_indirect_dma semaphore(%arg20 : memref<!tpu.dma_semaphore, #tpu.memory_space<semaphore_mem>>) src(%arg10 : memref<80x64xf32, #tpu.memory_space<vmem>>) dst(%dma_wait3A_89 : memref<10000x64xf32, #tpu.memory_space<vmem_shared>>)
    %barrier3A_90 = arith.constant 0 : index
    tpu.barrier barrier_id(%barrier3A_90)
    %lt3A_91 = arith.constant 15 : i32
    %lt3A_92 = arith.cmpi slt, %arg1, %lt3A_91 : i32
    %convert_element_type3A_93 = arith.extui %lt3A_92 : i1 to i32
    %cond3A_94 = arith.constant 0 : i32
    %cond3A_95 = arith.cmpi ne, %convert_element_type3A_93, %cond3A_94 : i32
    scf.if %cond3A_95 {
      %mul3A_101 = arith.constant 624 : i32
      %mul3A_102 = arith.muli %arg1, %mul3A_101 : i32
      %mul3A_103 = arith.constant 624 : i32
      %mul3A_104 = arith.muli %arg1, %mul3A_103 : i32
      %mul3A_105 = arith.constant 64 : i32
      %mul3A_106 = arith.muli %arg0, %mul3A_105 : i32
      "tpu.region"() ({
        %run_scoped3A_107 = tpu.sem_alloc : memref<!tpu.dma_semaphore, #tpu.memory_space<semaphore_mem>>
        %dma_start3A_108 = tpu.memref_slice %arg4[%mul3A_104, %mul3A_106] : memref<10000x128xf32, #tpu.memory_space<hbm>> -> memref<624x64xf32, #tpu.memory_space<hbm>>
        %dma_start3A_109 = arith.constant 0 : i32
        %dma_start3A_110 = tpu.memref_slice %arg12[%mul3A_102, %dma_start3A_109] : memref<10000x64xf32, #tpu.memory_space<vmem_shared>> -> memref<624x64xf32, #tpu.memory_space<vmem_shared>>
        tpu.enqueue_dma source(%dma_start3A_110 : memref<624x64xf32, #tpu.memory_space<vmem_shared>>) target(%dma_start3A_108 : memref<624x64xf32, #tpu.memory_space<hbm>>) target_semaphore(%run_scoped3A_107 : memref<!tpu.dma_semaphore, #tpu.memory_space<semaphore_mem>>)
        %dma_wait3A_111 = tpu.memref_slice %arg4[%mul3A_104, %mul3A_106] : memref<10000x128xf32, #tpu.memory_space<hbm>> -> memref<624x64xf32, #tpu.memory_space<hbm>>
        %dma_wait3A_112 = arith.constant 0 : i32
        %dma_wait3A_113 = tpu.memref_slice %arg12[%mul3A_102, %dma_wait3A_112] : memref<10000x64xf32, #tpu.memory_space<vmem_shared>> -> memref<624x64xf32, #tpu.memory_space<vmem_shared>>
        tpu.wait_dma2 semaphore(%run_scoped3A_107 : memref<!tpu.dma_semaphore, #tpu.memory_space<semaphore_mem>>) src(%dma_wait3A_113 : memref<624x64xf32, #tpu.memory_space<vmem_shared>>) dst(%dma_wait3A_111 : memref<624x64xf32, #tpu.memory_space<hbm>>)
        tpu.yield
      }) : () -> ()
    } else {
    }
    %eq3A_96 = arith.constant 15 : i32
    %eq3A_97 = arith.cmpi eq, %arg1, %eq3A_96 : i32
    %convert_element_type3A_98 = arith.extui %eq3A_97 : i1 to i32
    %cond3A_99 = arith.constant 0 : i32
    %cond3A_100 = arith.cmpi ne, %convert_element_type3A_98, %cond3A_99 : i32
    scf.if %cond3A_100 {
      %mul3A_101 = arith.constant 64 : i32
      %mul3A_102 = arith.muli %arg0, %mul3A_101 : i32
      "tpu.region"() ({
        %run_scoped3A_103 = tpu.sem_alloc : memref<!tpu.dma_semaphore, #tpu.memory_space<semaphore_mem>>
        %dma_start3A_104 = arith.constant 9360 : i32
        %dma_start3A_105 = tpu.memref_slice %arg4[%dma_start3A_104, %mul3A_102] : memref<10000x128xf32, #tpu.memory_space<hbm>> -> memref<640x64xf32, #tpu.memory_space<hbm>>
        %dma_start3A_106 = arith.constant 9360 : i32
        %dma_start3A_107 = arith.constant 0 : i32
        %dma_start3A_108 = tpu.memref_slice %arg12[%dma_start3A_106, %dma_start3A_107] : memref<10000x64xf32, #tpu.memory_space<vmem_shared>> -> memref<640x64xf32, #tpu.memory_space<vmem_shared>>
        tpu.enqueue_dma source(%dma_start3A_108 : memref<640x64xf32, #tpu.memory_space<vmem_shared>>) target(%dma_start3A_105 : memref<640x64xf32, #tpu.memory_space<hbm>>) target_semaphore(%run_scoped3A_103 : memref<!tpu.dma_semaphore, #tpu.memory_space<semaphore_mem>>)
        %dma_wait3A_109 = arith.constant 9360 : i32
        %dma_wait3A_110 = tpu.memref_slice %arg4[%dma_wait3A_109, %mul3A_102] : memref<10000x128xf32, #tpu.memory_space<hbm>> -> memref<640x64xf32, #tpu.memory_space<hbm>>
        %dma_wait3A_111 = arith.constant 9360 : i32
        %dma_wait3A_112 = arith.constant 0 : i32
        %dma_wait3A_113 = tpu.memref_slice %arg12[%dma_wait3A_111, %dma_wait3A_112] : memref<10000x64xf32, #tpu.memory_space<vmem_shared>> -> memref<640x64xf32, #tpu.memory_space<vmem_shared>>
        tpu.wait_dma2 semaphore(%run_scoped3A_103 : memref<!tpu.dma_semaphore, #tpu.memory_space<semaphore_mem>>) src(%dma_wait3A_113 : memref<640x64xf32, #tpu.memory_space<vmem_shared>>) dst(%dma_wait3A_110 : memref<640x64xf32, #tpu.memory_space<hbm>>)
        tpu.yield
      }) : () -> ()
    } else {
    }
    return
  }
}

#map = affine_map<(d0, d1) -> (0, 0)>
#map1 = affine_map<(d0, d1) -> (0, 0, 0, 0)>
module attributes {stable_mosaic.version = 14 : i64} {
  func.func @_segsum_body(%arg0: i32, %arg1: i32, %arg2: memref<10000x64xf32, #tpu.memory_space<hbm>>, %arg3: memref<2x32x125x80xi32, #tpu.memory_space<hbm>>, %arg4: memref<10000x128xf32, #tpu.memory_space<hbm>>, %arg5: memref<125x80xi32, #tpu.memory_space<vmem>>, %arg6: memref<125x80xi32, #tpu.memory_space<vmem>>, %arg7: memref<80x64xf32, #tpu.memory_space<vmem>>, %arg8: memref<80x64xf32, #tpu.memory_space<vmem>>, %arg9: memref<80x64xf32, #tpu.memory_space<vmem>>, %arg10: memref<80x64xf32, #tpu.memory_space<vmem>>, %arg11: memref<160x64xf32, #tpu.memory_space<vmem>>, %arg12: memref<10000x64xf32, #tpu.memory_space<vmem_shared>>, %arg13: memref<!tpu.dma_semaphore, #tpu.memory_space<semaphore_mem>>, %arg14: memref<!tpu.dma_semaphore, #tpu.memory_space<semaphore_mem>>, %arg15: memref<!tpu.dma_semaphore, #tpu.memory_space<semaphore_mem>>, %arg16: memref<!tpu.dma_semaphore, #tpu.memory_space<semaphore_mem>>, %arg17: memref<!tpu.dma_semaphore, #tpu.memory_space<semaphore_mem>>, %arg18: memref<!tpu.dma_semaphore, #tpu.memory_space<semaphore_mem>>, %arg19: memref<!tpu.dma_semaphore, #tpu.memory_space<semaphore_mem>>, %arg20: memref<!tpu.dma_semaphore, #tpu.memory_space<semaphore_mem>>) attributes {dimension_semantics = [#tpu.dimension_semantics<core_parallel>, #tpu.dimension_semantics<subcore_parallel>], iteration_bounds = array<i64: 2, 16>, scalar_prefetch = 0 : i64, scratch_operands = 16 : i64, tpu.core_type = #tpu.core_type<sc_vector_subcore>, window_params = [{transform_indices = #map}, {transform_indices = #map1}, {transform_indices = #map}]} {
    %mul3A = arith.constant 16 : i32
    %mul3A_0 = arith.muli %arg0, %mul3A : i32
    %add3A = arith.addi %mul3A_0, %arg1 : i32
    %run_scoped3A = arith.constant 0 : i32
    "tpu.region"() ({
      %run_scoped3A_101 = tpu.sem_alloc : memref<!tpu.dma_semaphore, #tpu.memory_space<semaphore_mem>>
      %dma_start3A_102 = arith.constant 0 : i32
      %dma_start3A_103 = arith.constant 0 : i32
      %dma_start3A_104 = tpu.memref_slice %arg3[%run_scoped3A, %add3A, %dma_start3A_102, %dma_start3A_103] : memref<2x32x125x80xi32, #tpu.memory_space<hbm>> -> memref<1x1x125x80xi32, #tpu.memory_space<hbm>>
      %dma_start3A_105 = tpu.memref_squeeze %dma_start3A_104 : memref<1x1x125x80xi32, #tpu.memory_space<hbm>> -> memref<125x80xi32, #tpu.memory_space<hbm>>
      %dma_start3A_106 = arith.constant 0 : i32
      %dma_start3A_107 = arith.constant 0 : i32
      %dma_start3A_108 = tpu.memref_slice %arg3[%run_scoped3A, %add3A, %dma_start3A_106, %dma_start3A_107] : memref<2x32x125x80xi32, #tpu.memory_space<hbm>> -> memref<1x1x125x80xi32, #tpu.memory_space<hbm>>
      %dma_start3A_109 = tpu.memref_squeeze %dma_start3A_108 : memref<1x1x125x80xi32, #tpu.memory_space<hbm>> -> memref<125x80xi32, #tpu.memory_space<hbm>>
      tpu.enqueue_dma source(%dma_start3A_109 : memref<125x80xi32, #tpu.memory_space<hbm>>) target(%arg5 : memref<125x80xi32, #tpu.memory_space<vmem>>) target_semaphore(%run_scoped3A_101 : memref<!tpu.dma_semaphore, #tpu.memory_space<semaphore_mem>>)
      %dma_wait3A_110 = arith.constant 0 : i32
      %dma_wait3A_111 = arith.constant 0 : i32
      %dma_wait3A_112 = tpu.memref_slice %arg3[%run_scoped3A, %add3A, %dma_wait3A_110, %dma_wait3A_111] : memref<2x32x125x80xi32, #tpu.memory_space<hbm>> -> memref<1x1x125x80xi32, #tpu.memory_space<hbm>>
      %dma_wait3A_113 = tpu.memref_squeeze %dma_wait3A_112 : memref<1x1x125x80xi32, #tpu.memory_space<hbm>> -> memref<125x80xi32, #tpu.memory_space<hbm>>
      %dma_wait3A_114 = arith.constant 0 : i32
      %dma_wait3A_115 = arith.constant 0 : i32
      %dma_wait3A_116 = tpu.memref_slice %arg3[%run_scoped3A, %add3A, %dma_wait3A_114, %dma_wait3A_115] : memref<2x32x125x80xi32, #tpu.memory_space<hbm>> -> memref<1x1x125x80xi32, #tpu.memory_space<hbm>>
      %dma_wait3A_117 = tpu.memref_squeeze %dma_wait3A_116 : memref<1x1x125x80xi32, #tpu.memory_space<hbm>> -> memref<125x80xi32, #tpu.memory_space<hbm>>
      tpu.wait_dma2 semaphore(%run_scoped3A_101 : memref<!tpu.dma_semaphore, #tpu.memory_space<semaphore_mem>>) src(%dma_wait3A_117 : memref<125x80xi32, #tpu.memory_space<hbm>>) dst(%arg5 : memref<125x80xi32, #tpu.memory_space<vmem>>)
      tpu.yield
    }) : () -> ()
    %run_scoped3A_1 = arith.constant 1 : i32
    "tpu.region"() ({
      %run_scoped3A_101 = tpu.sem_alloc : memref<!tpu.dma_semaphore, #tpu.memory_space<semaphore_mem>>
      %dma_start3A_102 = arith.constant 0 : i32
      %dma_start3A_103 = arith.constant 0 : i32
      %dma_start3A_104 = tpu.memref_slice %arg3[%run_scoped3A_1, %add3A, %dma_start3A_102, %dma_start3A_103] : memref<2x32x125x80xi32, #tpu.memory_space<hbm>> -> memref<1x1x125x80xi32, #tpu.memory_space<hbm>>
      %dma_start3A_105 = tpu.memref_squeeze %dma_start3A_104 : memref<1x1x125x80xi32, #tpu.memory_space<hbm>> -> memref<125x80xi32, #tpu.memory_space<hbm>>
      %dma_start3A_106 = arith.constant 0 : i32
      %dma_start3A_107 = arith.constant 0 : i32
      %dma_start3A_108 = tpu.memref_slice %arg3[%run_scoped3A_1, %add3A, %dma_start3A_106, %dma_start3A_107] : memref<2x32x125x80xi32, #tpu.memory_space<hbm>> -> memref<1x1x125x80xi32, #tpu.memory_space<hbm>>
      %dma_start3A_109 = tpu.memref_squeeze %dma_start3A_108 : memref<1x1x125x80xi32, #tpu.memory_space<hbm>> -> memref<125x80xi32, #tpu.memory_space<hbm>>
      tpu.enqueue_dma source(%dma_start3A_109 : memref<125x80xi32, #tpu.memory_space<hbm>>) target(%arg6 : memref<125x80xi32, #tpu.memory_space<vmem>>) target_semaphore(%run_scoped3A_101 : memref<!tpu.dma_semaphore, #tpu.memory_space<semaphore_mem>>)
      %dma_wait3A_110 = arith.constant 0 : i32
      %dma_wait3A_111 = arith.constant 0 : i32
      %dma_wait3A_112 = tpu.memref_slice %arg3[%run_scoped3A_1, %add3A, %dma_wait3A_110, %dma_wait3A_111] : memref<2x32x125x80xi32, #tpu.memory_space<hbm>> -> memref<1x1x125x80xi32, #tpu.memory_space<hbm>>
      %dma_wait3A_113 = tpu.memref_squeeze %dma_wait3A_112 : memref<1x1x125x80xi32, #tpu.memory_space<hbm>> -> memref<125x80xi32, #tpu.memory_space<hbm>>
      %dma_wait3A_114 = arith.constant 0 : i32
      %dma_wait3A_115 = arith.constant 0 : i32
      %dma_wait3A_116 = tpu.memref_slice %arg3[%run_scoped3A_1, %add3A, %dma_wait3A_114, %dma_wait3A_115] : memref<2x32x125x80xi32, #tpu.memory_space<hbm>> -> memref<1x1x125x80xi32, #tpu.memory_space<hbm>>
      %dma_wait3A_117 = tpu.memref_squeeze %dma_wait3A_116 : memref<1x1x125x80xi32, #tpu.memory_space<hbm>> -> memref<125x80xi32, #tpu.memory_space<hbm>>
      tpu.wait_dma2 semaphore(%run_scoped3A_101 : memref<!tpu.dma_semaphore, #tpu.memory_space<semaphore_mem>>) src(%dma_wait3A_117 : memref<125x80xi32, #tpu.memory_space<hbm>>) dst(%arg6 : memref<125x80xi32, #tpu.memory_space<vmem>>)
      tpu.yield
    }) : () -> ()
    %dma_start3A = arith.constant 0 : i32
    %dma_start3A_2 = arith.constant 0 : i32
    %dma_start3A_3 = tpu.memref_slice %arg5[%dma_start3A, %dma_start3A_2] : memref<125x80xi32, #tpu.memory_space<vmem>> -> memref<1x80xi32, #tpu.memory_space<vmem>>
    %dma_start3A_4 = tpu.memref_squeeze %dma_start3A_3 : memref<1x80xi32, #tpu.memory_space<vmem>> -> memref<80xi32, #tpu.memory_space<vmem>>
    %dma_start3A_5 = arith.constant 0 : i32
    %dma_start3A_6 = arith.constant 0 : i32
    %dma_start3A_7 = tpu.memref_slice %arg2[%dma_start3A_5, %dma_start3A_6] : memref<10000x64xf32, #tpu.memory_space<hbm>> -> memref<10000x64xf32, #tpu.memory_space<hbm>>
    tpu.enqueue_indirect_dma source(%dma_start3A_7 : memref<10000x64xf32, #tpu.memory_space<hbm>>) target(%arg7 : memref<80x64xf32, #tpu.memory_space<vmem>>) offsets(%dma_start3A_4 : memref<80xi32, #tpu.memory_space<vmem>>) semaphore(%arg13 : memref<!tpu.dma_semaphore, #tpu.memory_space<semaphore_mem>>)
    %dma_start3A_8 = arith.constant 1 : i32
    %dma_start3A_9 = arith.constant 0 : i32
    %dma_start3A_10 = tpu.memref_slice %arg5[%dma_start3A_8, %dma_start3A_9] : memref<125x80xi32, #tpu.memory_space<vmem>> -> memref<1x80xi32, #tpu.memory_space<vmem>>
    %dma_start3A_11 = tpu.memref_squeeze %dma_start3A_10 : memref<1x80xi32, #tpu.memory_space<vmem>> -> memref<80xi32, #tpu.memory_space<vmem>>
    %dma_start3A_12 = arith.constant 0 : i32
    %dma_start3A_13 = arith.constant 0 : i32
    %dma_start3A_14 = tpu.memref_slice %arg2[%dma_start3A_12, %dma_start3A_13] : memref<10000x64xf32, #tpu.memory_space<hbm>> -> memref<10000x64xf32, #tpu.memory_space<hbm>>
    tpu.enqueue_indirect_dma source(%dma_start3A_14 : memref<10000x64xf32, #tpu.memory_space<hbm>>) target(%arg8 : memref<80x64xf32, #tpu.memory_space<vmem>>) offsets(%dma_start3A_11 : memref<80xi32, #tpu.memory_space<vmem>>) semaphore(%arg14 : memref<!tpu.dma_semaphore, #tpu.memory_space<semaphore_mem>>)
    %dma_start3A_15 = arith.constant 2 : i32
    %dma_start3A_16 = arith.constant 0 : i32
    %dma_start3A_17 = tpu.memref_slice %arg5[%dma_start3A_15, %dma_start3A_16] : memref<125x80xi32, #tpu.memory_space<vmem>> -> memref<1x80xi32, #tpu.memory_space<vmem>>
    %dma_start3A_18 = tpu.memref_squeeze %dma_start3A_17 : memref<1x80xi32, #tpu.memory_space<vmem>> -> memref<80xi32, #tpu.memory_space<vmem>>
    %dma_start3A_19 = arith.constant 0 : i32
    %dma_start3A_20 = arith.constant 0 : i32
    %dma_start3A_21 = tpu.memref_slice %arg2[%dma_start3A_19, %dma_start3A_20] : memref<10000x64xf32, #tpu.memory_space<hbm>> -> memref<10000x64xf32, #tpu.memory_space<hbm>>
    tpu.enqueue_indirect_dma source(%dma_start3A_21 : memref<10000x64xf32, #tpu.memory_space<hbm>>) target(%arg9 : memref<80x64xf32, #tpu.memory_space<vmem>>) offsets(%dma_start3A_18 : memref<80xi32, #tpu.memory_space<vmem>>) semaphore(%arg15 : memref<!tpu.dma_semaphore, #tpu.memory_space<semaphore_mem>>)
    %scan3A = arith.constant 0 : i32
    %scan3A_22 = arith.constant 0 : i32
    %scan3A_23 = arith.constant 160 : i32
    %scan3A_24 = arith.addi %scan3A_22, %scan3A_23 : i32
    %scan3A_25 = arith.constant 1 : i32
    %scan3A_26 = scf.for %scan3A_101 = %scan3A_22 to %scan3A_24 step %scan3A_25 iter_args(%scan3A_102 = %scan3A) -> (i32)  : i32 {
      %broadcast_in_dim3A = arith.constant 0.000000e+00 : f32
      %broadcast_in_dim3A_103 = vector.broadcast %broadcast_in_dim3A : f32 to vector<16xf32>
      %swap3A = arith.index_cast %scan3A_101 : i32 to index
      %swap3A_104 = arith.constant 0 : index
      %swap3A_105 = tpu.vector_load %arg11[%swap3A, %swap3A_104] {strides = array<i32>} : memref<160x64xf32, #tpu.memory_space<vmem>>, vector<1x16xf32>,
      %swap3A_106 = vector.shape_cast %swap3A_105 : vector<1x16xf32> to vector<16xf32>
      %swap3A_107 = vector.shape_cast %broadcast_in_dim3A_103 : vector<16xf32> to vector<1x16xf32>
      tpu.vector_store %arg11[%swap3A, %swap3A_104], %swap3A_107 {strides = array<i32>} : memref<160x64xf32, #tpu.memory_space<vmem>>, vector<1x16xf32>,
      %broadcast_in_dim3A_108 = arith.constant 0.000000e+00 : f32
      %broadcast_in_dim3A_109 = vector.broadcast %broadcast_in_dim3A_108 : f32 to vector<16xf32>
      %swap3A_110 = arith.index_cast %scan3A_101 : i32 to index
      %swap3A_111 = arith.constant 16 : index
      %swap3A_112 = tpu.vector_load %arg11[%swap3A_110, %swap3A_111] {strides = array<i32>} : memref<160x64xf32, #tpu.memory_space<vmem>>, vector<1x16xf32>,
      %swap3A_113 = vector.shape_cast %swap3A_112 : vector<1x16xf32> to vector<16xf32>
      %swap3A_114 = vector.shape_cast %broadcast_in_dim3A_109 : vector<16xf32> to vector<1x16xf32>
      tpu.vector_store %arg11[%swap3A_110, %swap3A_111], %swap3A_114 {strides = array<i32>} : memref<160x64xf32, #tpu.memory_space<vmem>>, vector<1x16xf32>,
      %broadcast_in_dim3A_115 = arith.constant 0.000000e+00 : f32
      %broadcast_in_dim3A_116 = vector.broadcast %broadcast_in_dim3A_115 : f32 to vector<16xf32>
      %swap3A_117 = arith.index_cast %scan3A_101 : i32 to index
      %swap3A_118 = arith.constant 32 : index
      %swap3A_119 = tpu.vector_load %arg11[%swap3A_117, %swap3A_118] {strides = array<i32>} : memref<160x64xf32, #tpu.memory_space<vmem>>, vector<1x16xf32>,
      %swap3A_120 = vector.shape_cast %swap3A_119 : vector<1x16xf32> to vector<16xf32>
      %swap3A_121 = vector.shape_cast %broadcast_in_dim3A_116 : vector<16xf32> to vector<1x16xf32>
      tpu.vector_store %arg11[%swap3A_117, %swap3A_118], %swap3A_121 {strides = array<i32>} : memref<160x64xf32, #tpu.memory_space<vmem>>, vector<1x16xf32>,
      %broadcast_in_dim3A_122 = arith.constant 0.000000e+00 : f32
      %broadcast_in_dim3A_123 = vector.broadcast %broadcast_in_dim3A_122 : f32 to vector<16xf32>
      %swap3A_124 = arith.index_cast %scan3A_101 : i32 to index
      %swap3A_125 = arith.constant 48 : index
      %swap3A_126 = tpu.vector_load %arg11[%swap3A_124, %swap3A_125] {strides = array<i32>} : memref<160x64xf32, #tpu.memory_space<vmem>>, vector<1x16xf32>,
      %swap3A_127 = vector.shape_cast %swap3A_126 : vector<1x16xf32> to vector<16xf32>
      %swap3A_128 = vector.shape_cast %broadcast_in_dim3A_123 : vector<16xf32> to vector<1x16xf32>
      tpu.vector_store %arg11[%swap3A_124, %swap3A_125], %swap3A_128 {strides = array<i32>} : memref<160x64xf32, #tpu.memory_space<vmem>>, vector<1x16xf32>,
      %scan3A_129 = arith.constant 0 : i32
      scf.yield %scan3A_129 : i32
    }
    %scan3A_27 = arith.constant 160 : i32
    %mul3A_28 = arith.constant 624 : i32
    %mul3A_29 = arith.muli %arg1, %mul3A_28 : i32
    %add3A_30 = arith.constant 0 : i32
    %add3A_31 = arith.addi %mul3A_29, %add3A_30 : i32
    "tpu.region"() ({
      %run_scoped3A_101 = tpu.sem_alloc : memref<!tpu.dma_semaphore, #tpu.memory_space<semaphore_mem>>
      %dma_start3A_102 = arith.constant 0 : i32
      %dma_start3A_103 = tpu.memref_slice %arg12[%add3A_31, %dma_start3A_102] : memref<10000x64xf32, #tpu.memory_space<vmem_shared>> -> memref<160x64xf32, #tpu.memory_space<vmem_shared>>
      %dma_start3A_104 = arith.constant 0 : i32
      %dma_start3A_105 = tpu.memref_slice %arg12[%add3A_31, %dma_start3A_104] : memref<10000x64xf32, #tpu.memory_space<vmem_shared>> -> memref<160x64xf32, #tpu.memory_space<vmem_shared>>
      tpu.enqueue_dma source(%arg11 : memref<160x64xf32, #tpu.memory_space<vmem>>) target(%dma_start3A_105 : memref<160x64xf32, #tpu.memory_space<vmem_shared>>) target_semaphore(%run_scoped3A_101 : memref<!tpu.dma_semaphore, #tpu.memory_space<semaphore_mem>>)
      %dma_wait3A_106 = arith.constant 0 : i32
      %dma_wait3A_107 = tpu.memref_slice %arg12[%add3A_31, %dma_wait3A_106] : memref<10000x64xf32, #tpu.memory_space<vmem_shared>> -> memref<160x64xf32, #tpu.memory_space<vmem_shared>>
      %dma_wait3A_108 = arith.constant 0 : i32
      %dma_wait3A_109 = tpu.memref_slice %arg12[%add3A_31, %dma_wait3A_108] : memref<10000x64xf32, #tpu.memory_space<vmem_shared>> -> memref<160x64xf32, #tpu.memory_space<vmem_shared>>
      tpu.wait_dma2 semaphore(%run_scoped3A_101 : memref<!tpu.dma_semaphore, #tpu.memory_space<semaphore_mem>>) src(%arg11 : memref<160x64xf32, #tpu.memory_space<vmem>>) dst(%dma_wait3A_109 : memref<160x64xf32, #tpu.memory_space<vmem_shared>>)
      tpu.yield
    }) : () -> ()
    %add3A_32 = arith.constant 160 : i32
    %add3A_33 = arith.addi %mul3A_29, %add3A_32 : i32
    "tpu.region"() ({
      %run_scoped3A_101 = tpu.sem_alloc : memref<!tpu.dma_semaphore, #tpu.memory_space<semaphore_mem>>
      %dma_start3A_102 = arith.constant 0 : i32
      %dma_start3A_103 = tpu.memref_slice %arg12[%add3A_33, %dma_start3A_102] : memref<10000x64xf32, #tpu.memory_space<vmem_shared>> -> memref<160x64xf32, #tpu.memory_space<vmem_shared>>
      %dma_start3A_104 = arith.constant 0 : i32
      %dma_start3A_105 = tpu.memref_slice %arg12[%add3A_33, %dma_start3A_104] : memref<10000x64xf32, #tpu.memory_space<vmem_shared>> -> memref<160x64xf32, #tpu.memory_space<vmem_shared>>
      tpu.enqueue_dma source(%arg11 : memref<160x64xf32, #tpu.memory_space<vmem>>) target(%dma_start3A_105 : memref<160x64xf32, #tpu.memory_space<vmem_shared>>) target_semaphore(%run_scoped3A_101 : memref<!tpu.dma_semaphore, #tpu.memory_space<semaphore_mem>>)
      %dma_wait3A_106 = arith.constant 0 : i32
      %dma_wait3A_107 = tpu.memref_slice %arg12[%add3A_33, %dma_wait3A_106] : memref<10000x64xf32, #tpu.memory_space<vmem_shared>> -> memref<160x64xf32, #tpu.memory_space<vmem_shared>>
      %dma_wait3A_108 = arith.constant 0 : i32
      %dma_wait3A_109 = tpu.memref_slice %arg12[%add3A_33, %dma_wait3A_108] : memref<10000x64xf32, #tpu.memory_space<vmem_shared>> -> memref<160x64xf32, #tpu.memory_space<vmem_shared>>
      tpu.wait_dma2 semaphore(%run_scoped3A_101 : memref<!tpu.dma_semaphore, #tpu.memory_space<semaphore_mem>>) src(%arg11 : memref<160x64xf32, #tpu.memory_space<vmem>>) dst(%dma_wait3A_109 : memref<160x64xf32, #tpu.memory_space<vmem_shared>>)
      tpu.yield
    }) : () -> ()
    %add3A_34 = arith.constant 320 : i32
    %add3A_35 = arith.addi %mul3A_29, %add3A_34 : i32
    "tpu.region"() ({
      %run_scoped3A_101 = tpu.sem_alloc : memref<!tpu.dma_semaphore, #tpu.memory_space<semaphore_mem>>
      %dma_start3A_102 = arith.constant 0 : i32
      %dma_start3A_103 = tpu.memref_slice %arg12[%add3A_35, %dma_start3A_102] : memref<10000x64xf32, #tpu.memory_space<vmem_shared>> -> memref<160x64xf32, #tpu.memory_space<vmem_shared>>
      %dma_start3A_104 = arith.constant 0 : i32
      %dma_start3A_105 = tpu.memref_slice %arg12[%add3A_35, %dma_start3A_104] : memref<10000x64xf32, #tpu.memory_space<vmem_shared>> -> memref<160x64xf32, #tpu.memory_space<vmem_shared>>
      tpu.enqueue_dma source(%arg11 : memref<160x64xf32, #tpu.memory_space<vmem>>) target(%dma_start3A_105 : memref<160x64xf32, #tpu.memory_space<vmem_shared>>) target_semaphore(%run_scoped3A_101 : memref<!tpu.dma_semaphore, #tpu.memory_space<semaphore_mem>>)
      %dma_wait3A_106 = arith.constant 0 : i32
      %dma_wait3A_107 = tpu.memref_slice %arg12[%add3A_35, %dma_wait3A_106] : memref<10000x64xf32, #tpu.memory_space<vmem_shared>> -> memref<160x64xf32, #tpu.memory_space<vmem_shared>>
      %dma_wait3A_108 = arith.constant 0 : i32
      %dma_wait3A_109 = tpu.memref_slice %arg12[%add3A_35, %dma_wait3A_108] : memref<10000x64xf32, #tpu.memory_space<vmem_shared>> -> memref<160x64xf32, #tpu.memory_space<vmem_shared>>
      tpu.wait_dma2 semaphore(%run_scoped3A_101 : memref<!tpu.dma_semaphore, #tpu.memory_space<semaphore_mem>>) src(%arg11 : memref<160x64xf32, #tpu.memory_space<vmem>>) dst(%dma_wait3A_109 : memref<160x64xf32, #tpu.memory_space<vmem_shared>>)
      tpu.yield
    }) : () -> ()
    %lt3A = arith.constant 15 : i32
    %lt3A_36 = arith.cmpi slt, %arg1, %lt3A : i32
    %convert_element_type3A = arith.extui %lt3A_36 : i1 to i32
    %cond3A = arith.constant 0 : i32
    %cond3A_37 = arith.cmpi ne, %convert_element_type3A, %cond3A : i32
    scf.if %cond3A_37 {
      %add3A_101 = arith.constant 480 : i32
      %add3A_102 = arith.addi %mul3A_29, %add3A_101 : i32
      "tpu.region"() ({
        %run_scoped3A_103 = tpu.sem_alloc : memref<!tpu.dma_semaphore, #tpu.memory_space<semaphore_mem>>
        %dma_start3A_104 = arith.constant 0 : i32
        %dma_start3A_105 = arith.constant 0 : i32
        %dma_start3A_106 = tpu.memref_slice %arg11[%dma_start3A_104, %dma_start3A_105] : memref<160x64xf32, #tpu.memory_space<vmem>> -> memref<144x64xf32, #tpu.memory_space<vmem>>
        %dma_start3A_107 = arith.constant 0 : i32
        %dma_start3A_108 = tpu.memref_slice %arg12[%add3A_102, %dma_start3A_107] : memref<10000x64xf32, #tpu.memory_space<vmem_shared>> -> memref<144x64xf32, #tpu.memory_space<vmem_shared>>
        %dma_start3A_109 = arith.constant 0 : i32
        %dma_start3A_110 = tpu.memref_slice %arg12[%add3A_102, %dma_start3A_109] : memref<10000x64xf32, #tpu.memory_space<vmem_shared>> -> memref<144x64xf32, #tpu.memory_space<vmem_shared>>
        %dma_start3A_111 = arith.constant 0 : i32
        %dma_start3A_112 = arith.constant 0 : i32
        %dma_start3A_113 = tpu.memref_slice %arg11[%dma_start3A_111, %dma_start3A_112] : memref<160x64xf32, #tpu.memory_space<vmem>> -> memref<144x64xf32, #tpu.memory_space<vmem>>
        tpu.enqueue_dma source(%dma_start3A_113 : memref<144x64xf32, #tpu.memory_space<vmem>>) target(%dma_start3A_110 : memref<144x64xf32, #tpu.memory_space<vmem_shared>>) target_semaphore(%run_scoped3A_103 : memref<!tpu.dma_semaphore, #tpu.memory_space<semaphore_mem>>)
        %dma_wait3A_114 = arith.constant 0 : i32
        %dma_wait3A_115 = arith.constant 0 : i32
        %dma_wait3A_116 = tpu.memref_slice %arg11[%dma_wait3A_114, %dma_wait3A_115] : memref<160x64xf32, #tpu.memory_space<vmem>> -> memref<144x64xf32, #tpu.memory_space<vmem>>
        %dma_wait3A_117 = arith.constant 0 : i32
        %dma_wait3A_118 = tpu.memref_slice %arg12[%add3A_102, %dma_wait3A_117] : memref<10000x64xf32, #tpu.memory_space<vmem_shared>> -> memref<144x64xf32, #tpu.memory_space<vmem_shared>>
        %dma_wait3A_119 = arith.constant 0 : i32
        %dma_wait3A_120 = tpu.memref_slice %arg12[%add3A_102, %dma_wait3A_119] : memref<10000x64xf32, #tpu.memory_space<vmem_shared>> -> memref<144x64xf32, #tpu.memory_space<vmem_shared>>
        %dma_wait3A_121 = arith.constant 0 : i32
        %dma_wait3A_122 = arith.constant 0 : i32
        %dma_wait3A_123 = tpu.memref_slice %arg11[%dma_wait3A_121, %dma_wait3A_122] : memref<160x64xf32, #tpu.memory_space<vmem>> -> memref<144x64xf32, #tpu.memory_space<vmem>>
        tpu.wait_dma2 semaphore(%run_scoped3A_103 : memref<!tpu.dma_semaphore, #tpu.memory_space<semaphore_mem>>) src(%dma_wait3A_123 : memref<144x64xf32, #tpu.memory_space<vmem>>) dst(%dma_wait3A_120 : memref<144x64xf32, #tpu.memory_space<vmem_shared>>)
        tpu.yield
      }) : () -> ()
    } else {
    }
    %eq3A = arith.constant 15 : i32
    %eq3A_38 = arith.cmpi eq, %arg1, %eq3A : i32
    %convert_element_type3A_39 = arith.extui %eq3A_38 : i1 to i32
    %cond3A_40 = arith.constant 0 : i32
    %cond3A_41 = arith.cmpi ne, %convert_element_type3A_39, %cond3A_40 : i32
    scf.if %cond3A_41 {
      %add3A_101 = arith.constant 480 : i32
      %add3A_102 = arith.addi %mul3A_29, %add3A_101 : i32
      "tpu.region"() ({
        %run_scoped3A_103 = tpu.sem_alloc : memref<!tpu.dma_semaphore, #tpu.memory_space<semaphore_mem>>
        %dma_start3A_104 = arith.constant 0 : i32
        %dma_start3A_105 = tpu.memref_slice %arg12[%add3A_102, %dma_start3A_104] : memref<10000x64xf32, #tpu.memory_space<vmem_shared>> -> memref<160x64xf32, #tpu.memory_space<vmem_shared>>
        %dma_start3A_106 = arith.constant 0 : i32
        %dma_start3A_107 = tpu.memref_slice %arg12[%add3A_102, %dma_start3A_106] : memref<10000x64xf32, #tpu.memory_space<vmem_shared>> -> memref<160x64xf32, #tpu.memory_space<vmem_shared>>
        tpu.enqueue_dma source(%arg11 : memref<160x64xf32, #tpu.memory_space<vmem>>) target(%dma_start3A_107 : memref<160x64xf32, #tpu.memory_space<vmem_shared>>) target_semaphore(%run_scoped3A_103 : memref<!tpu.dma_semaphore, #tpu.memory_space<semaphore_mem>>)
        %dma_wait3A_108 = arith.constant 0 : i32
        %dma_wait3A_109 = tpu.memref_slice %arg12[%add3A_102, %dma_wait3A_108] : memref<10000x64xf32, #tpu.memory_space<vmem_shared>> -> memref<160x64xf32, #tpu.memory_space<vmem_shared>>
        %dma_wait3A_110 = arith.constant 0 : i32
        %dma_wait3A_111 = tpu.memref_slice %arg12[%add3A_102, %dma_wait3A_110] : memref<10000x64xf32, #tpu.memory_space<vmem_shared>> -> memref<160x64xf32, #tpu.memory_space<vmem_shared>>
        tpu.wait_dma2 semaphore(%run_scoped3A_103 : memref<!tpu.dma_semaphore, #tpu.memory_space<semaphore_mem>>) src(%arg11 : memref<160x64xf32, #tpu.memory_space<vmem>>) dst(%dma_wait3A_111 : memref<160x64xf32, #tpu.memory_space<vmem_shared>>)
        tpu.yield
      }) : () -> ()
    } else {
    }
    %barrier3A = arith.constant 0 : index
    tpu.barrier barrier_id(%barrier3A)
    %scan3A_42 = arith.constant 0 : i32
    %scan3A_43 = arith.constant 0 : i32
    %scan3A_44 = arith.constant 31 : i32
    %scan3A_45 = arith.addi %scan3A_43, %scan3A_44 : i32
    %scan3A_46 = arith.constant 1 : i32
    %scan3A_47 = scf.for %scan3A_101 = %scan3A_43 to %scan3A_45 step %scan3A_46 iter_args(%scan3A_102 = %scan3A_42) -> (i32)  : i32 {
      %mul3A_103 = arith.constant 4 : i32
      %mul3A_104 = arith.muli %mul3A_103, %scan3A_101 : i32
      %add3A_105 = arith.constant 0 : i32
      %add3A_106 = arith.addi %mul3A_104, %add3A_105 : i32
      %dma_wait3A_107 = arith.constant 0 : i32
      %dma_wait3A_108 = tpu.memref_slice %arg5[%add3A_106, %dma_wait3A_107] : memref<125x80xi32, #tpu.memory_space<vmem>> -> memref<1x80xi32, #tpu.memory_space<vmem>>
      %dma_wait3A_109 = tpu.memref_squeeze %dma_wait3A_108 : memref<1x80xi32, #tpu.memory_space<vmem>> -> memref<80xi32, #tpu.memory_space<vmem>>
      %dma_wait3A_110 = arith.constant 0 : i32
      %dma_wait3A_111 = arith.constant 0 : i32
      %dma_wait3A_112 = tpu.memref_slice %arg2[%dma_wait3A_110, %dma_wait3A_111] : memref<10000x64xf32, #tpu.memory_space<hbm>> -> memref<10000x64xf32, #tpu.memory_space<hbm>>
      tpu.wait_indirect_dma semaphore(%arg13 : memref<!tpu.dma_semaphore, #tpu.memory_space<semaphore_mem>>) src(%dma_wait3A_112 : memref<10000x64xf32, #tpu.memory_space<hbm>>) dst(%arg7 : memref<80x64xf32, #tpu.memory_space<vmem>>)
      %dma_start3A_113 = arith.constant 0 : i32
      %dma_start3A_114 = tpu.memref_slice %arg6[%add3A_106, %dma_start3A_113] : memref<125x80xi32, #tpu.memory_space<vmem>> -> memref<1x80xi32, #tpu.memory_space<vmem>>
      %dma_start3A_115 = tpu.memref_squeeze %dma_start3A_114 : memref<1x80xi32, #tpu.memory_space<vmem>> -> memref<80xi32, #tpu.memory_space<vmem>>
      %dma_start3A_116 = arith.constant 0 : i32
      %dma_start3A_117 = arith.constant 0 : i32
      %dma_start3A_118 = tpu.memref_slice %arg12[%dma_start3A_116, %dma_start3A_117] : memref<10000x64xf32, #tpu.memory_space<vmem_shared>> -> memref<10000x64xf32, #tpu.memory_space<vmem_shared>>
      tpu.enqueue_indirect_dma source(%arg7 : memref<80x64xf32, #tpu.memory_space<vmem>>) target(%dma_start3A_118 : memref<10000x64xf32, #tpu.memory_space<vmem_shared>>) offsets(%dma_start3A_115 : memref<80xi32, #tpu.memory_space<vmem>>) semaphore(%arg17 : memref<!tpu.dma_semaphore, #tpu.memory_space<semaphore_mem>>) {add = true}
      %add3A_119 = arith.constant 3 : i32
      %add3A_120 = arith.addi %add3A_106, %add3A_119 : i32
      %lt3A_121 = arith.constant 125 : i32
      %lt3A_122 = arith.cmpi slt, %add3A_120, %lt3A_121 : i32
      %convert_element_type3A_123 = arith.extui %lt3A_122 : i1 to i32
      %cond3A_124 = arith.constant 0 : i32
      %cond3A_125 = arith.cmpi ne, %convert_element_type3A_123, %cond3A_124 : i32
      scf.if %cond3A_125 {
        %ge3A = arith.constant 1 : i32
        %ge3A_196 = arith.cmpi sge, %add3A_106, %ge3A : i32
        %convert_element_type3A_197 = arith.extui %ge3A_196 : i1 to i32
        %cond3A_198 = arith.constant 0 : i32
        %cond3A_199 = arith.cmpi ne, %convert_element_type3A_197, %cond3A_198 : i32
        scf.if %cond3A_199 {
          %sub3A = arith.constant 1 : i32
          %sub3A_208 = arith.subi %add3A_106, %sub3A : i32
          %dma_wait3A_209 = arith.constant 0 : i32
          %dma_wait3A_210 = tpu.memref_slice %arg6[%sub3A_208, %dma_wait3A_209] : memref<125x80xi32, #tpu.memory_space<vmem>> -> memref<1x80xi32, #tpu.memory_space<vmem>>
          %dma_wait3A_211 = tpu.memref_squeeze %dma_wait3A_210 : memref<1x80xi32, #tpu.memory_space<vmem>> -> memref<80xi32, #tpu.memory_space<vmem>>
          %dma_wait3A_212 = arith.constant 0 : i32
          %dma_wait3A_213 = arith.constant 0 : i32
          %dma_wait3A_214 = tpu.memref_slice %arg12[%dma_wait3A_212, %dma_wait3A_213] : memref<10000x64xf32, #tpu.memory_space<vmem_shared>> -> memref<10000x64xf32, #tpu.memory_space<vmem_shared>>
          tpu.wait_indirect_dma semaphore(%arg20 : memref<!tpu.dma_semaphore, #tpu.memory_space<semaphore_mem>>) src(%arg10 : memref<80x64xf32, #tpu.memory_space<vmem>>) dst(%dma_wait3A_214 : memref<10000x64xf32, #tpu.memory_space<vmem_shared>>)
        } else {
        }
        %add3A_200 = arith.constant 3 : i32
        %add3A_201 = arith.addi %add3A_106, %add3A_200 : i32
        %dma_start3A_202 = arith.constant 0 : i32
        %dma_start3A_203 = tpu.memref_slice %arg5[%add3A_201, %dma_start3A_202] : memref<125x80xi32, #tpu.memory_space<vmem>> -> memref<1x80xi32, #tpu.memory_space<vmem>>
        %dma_start3A_204 = tpu.memref_squeeze %dma_start3A_203 : memref<1x80xi32, #tpu.memory_space<vmem>> -> memref<80xi32, #tpu.memory_space<vmem>>
        %dma_start3A_205 = arith.constant 0 : i32
        %dma_start3A_206 = arith.constant 0 : i32
        %dma_start3A_207 = tpu.memref_slice %arg2[%dma_start3A_205, %dma_start3A_206] : memref<10000x64xf32, #tpu.memory_space<hbm>> -> memref<10000x64xf32, #tpu.memory_space<hbm>>
        tpu.enqueue_indirect_dma source(%dma_start3A_207 : memref<10000x64xf32, #tpu.memory_space<hbm>>) target(%arg10 : memref<80x64xf32, #tpu.memory_space<vmem>>) offsets(%dma_start3A_204 : memref<80xi32, #tpu.memory_space<vmem>>) semaphore(%arg16 : memref<!tpu.dma_semaphore, #tpu.memory_space<semaphore_mem>>)
      } else {
      }
      %mul3A_126 = arith.constant 4 : i32
      %mul3A_127 = arith.muli %mul3A_126, %scan3A_101 : i32
      %add3A_128 = arith.constant 1 : i32
      %add3A_129 = arith.addi %mul3A_127, %add3A_128 : i32
      %dma_wait3A_130 = arith.constant 0 : i32
      %dma_wait3A_131 = tpu.memref_slice %arg5[%add3A_129, %dma_wait3A_130] : memref<125x80xi32, #tpu.memory_space<vmem>> -> memref<1x80xi32, #tpu.memory_space<vmem>>
      %dma_wait3A_132 = tpu.memref_squeeze %dma_wait3A_131 : memref<1x80xi32, #tpu.memory_space<vmem>> -> memref<80xi32, #tpu.memory_space<vmem>>
      %dma_wait3A_133 = arith.constant 0 : i32
      %dma_wait3A_134 = arith.constant 0 : i32
      %dma_wait3A_135 = tpu.memref_slice %arg2[%dma_wait3A_133, %dma_wait3A_134] : memref<10000x64xf32, #tpu.memory_space<hbm>> -> memref<10000x64xf32, #tpu.memory_space<hbm>>
      tpu.wait_indirect_dma semaphore(%arg14 : memref<!tpu.dma_semaphore, #tpu.memory_space<semaphore_mem>>) src(%dma_wait3A_135 : memref<10000x64xf32, #tpu.memory_space<hbm>>) dst(%arg8 : memref<80x64xf32, #tpu.memory_space<vmem>>)
      %dma_start3A_136 = arith.constant 0 : i32
      %dma_start3A_137 = tpu.memref_slice %arg6[%add3A_129, %dma_start3A_136] : memref<125x80xi32, #tpu.memory_space<vmem>> -> memref<1x80xi32, #tpu.memory_space<vmem>>
      %dma_start3A_138 = tpu.memref_squeeze %dma_start3A_137 : memref<1x80xi32, #tpu.memory_space<vmem>> -> memref<80xi32, #tpu.memory_space<vmem>>
      %dma_start3A_139 = arith.constant 0 : i32
      %dma_start3A_140 = arith.constant 0 : i32
      %dma_start3A_141 = tpu.memref_slice %arg12[%dma_start3A_139, %dma_start3A_140] : memref<10000x64xf32, #tpu.memory_space<vmem_shared>> -> memref<10000x64xf32, #tpu.memory_space<vmem_shared>>
      tpu.enqueue_indirect_dma source(%arg8 : memref<80x64xf32, #tpu.memory_space<vmem>>) target(%dma_start3A_141 : memref<10000x64xf32, #tpu.memory_space<vmem_shared>>) offsets(%dma_start3A_138 : memref<80xi32, #tpu.memory_space<vmem>>) semaphore(%arg18 : memref<!tpu.dma_semaphore, #tpu.memory_space<semaphore_mem>>) {add = true}
      %add3A_142 = arith.constant 3 : i32
      %add3A_143 = arith.addi %add3A_129, %add3A_142 : i32
      %lt3A_144 = arith.constant 125 : i32
      %lt3A_145 = arith.cmpi slt, %add3A_143, %lt3A_144 : i32
      %convert_element_type3A_146 = arith.extui %lt3A_145 : i1 to i32
      %cond3A_147 = arith.constant 0 : i32
      %cond3A_148 = arith.cmpi ne, %convert_element_type3A_146, %cond3A_147 : i32
      scf.if %cond3A_148 {
        %ge3A = arith.constant 1 : i32
        %ge3A_196 = arith.cmpi sge, %add3A_129, %ge3A : i32
        %convert_element_type3A_197 = arith.extui %ge3A_196 : i1 to i32
        %cond3A_198 = arith.constant 0 : i32
        %cond3A_199 = arith.cmpi ne, %convert_element_type3A_197, %cond3A_198 : i32
        scf.if %cond3A_199 {
          %sub3A = arith.constant 1 : i32
          %sub3A_208 = arith.subi %add3A_129, %sub3A : i32
          %dma_wait3A_209 = arith.constant 0 : i32
          %dma_wait3A_210 = tpu.memref_slice %arg6[%sub3A_208, %dma_wait3A_209] : memref<125x80xi32, #tpu.memory_space<vmem>> -> memref<1x80xi32, #tpu.memory_space<vmem>>
          %dma_wait3A_211 = tpu.memref_squeeze %dma_wait3A_210 : memref<1x80xi32, #tpu.memory_space<vmem>> -> memref<80xi32, #tpu.memory_space<vmem>>
          %dma_wait3A_212 = arith.constant 0 : i32
          %dma_wait3A_213 = arith.constant 0 : i32
          %dma_wait3A_214 = tpu.memref_slice %arg12[%dma_wait3A_212, %dma_wait3A_213] : memref<10000x64xf32, #tpu.memory_space<vmem_shared>> -> memref<10000x64xf32, #tpu.memory_space<vmem_shared>>
          tpu.wait_indirect_dma semaphore(%arg17 : memref<!tpu.dma_semaphore, #tpu.memory_space<semaphore_mem>>) src(%arg7 : memref<80x64xf32, #tpu.memory_space<vmem>>) dst(%dma_wait3A_214 : memref<10000x64xf32, #tpu.memory_space<vmem_shared>>)
        } else {
        }
        %add3A_200 = arith.constant 3 : i32
        %add3A_201 = arith.addi %add3A_129, %add3A_200 : i32
        %dma_start3A_202 = arith.constant 0 : i32
        %dma_start3A_203 = tpu.memref_slice %arg5[%add3A_201, %dma_start3A_202] : memref<125x80xi32, #tpu.memory_space<vmem>> -> memref<1x80xi32, #tpu.memory_space<vmem>>
        %dma_start3A_204 = tpu.memref_squeeze %dma_start3A_203 : memref<1x80xi32, #tpu.memory_space<vmem>> -> memref<80xi32, #tpu.memory_space<vmem>>
        %dma_start3A_205 = arith.constant 0 : i32
        %dma_start3A_206 = arith.constant 0 : i32
        %dma_start3A_207 = tpu.memref_slice %arg2[%dma_start3A_205, %dma_start3A_206] : memref<10000x64xf32, #tpu.memory_space<hbm>> -> memref<10000x64xf32, #tpu.memory_space<hbm>>
        tpu.enqueue_indirect_dma source(%dma_start3A_207 : memref<10000x64xf32, #tpu.memory_space<hbm>>) target(%arg7 : memref<80x64xf32, #tpu.memory_space<vmem>>) offsets(%dma_start3A_204 : memref<80xi32, #tpu.memory_space<vmem>>) semaphore(%arg13 : memref<!tpu.dma_semaphore, #tpu.memory_space<semaphore_mem>>)
      } else {
      }
      %mul3A_149 = arith.constant 4 : i32
      %mul3A_150 = arith.muli %mul3A_149, %scan3A_101 : i32
      %add3A_151 = arith.constant 2 : i32
      %add3A_152 = arith.addi %mul3A_150, %add3A_151 : i32
      %dma_wait3A_153 = arith.constant 0 : i32
      %dma_wait3A_154 = tpu.memref_slice %arg5[%add3A_152, %dma_wait3A_153] : memref<125x80xi32, #tpu.memory_space<vmem>> -> memref<1x80xi32, #tpu.memory_space<vmem>>
      %dma_wait3A_155 = tpu.memref_squeeze %dma_wait3A_154 : memref<1x80xi32, #tpu.memory_space<vmem>> -> memref<80xi32, #tpu.memory_space<vmem>>
      %dma_wait3A_156 = arith.constant 0 : i32
      %dma_wait3A_157 = arith.constant 0 : i32
      %dma_wait3A_158 = tpu.memref_slice %arg2[%dma_wait3A_156, %dma_wait3A_157] : memref<10000x64xf32, #tpu.memory_space<hbm>> -> memref<10000x64xf32, #tpu.memory_space<hbm>>
      tpu.wait_indirect_dma semaphore(%arg15 : memref<!tpu.dma_semaphore, #tpu.memory_space<semaphore_mem>>) src(%dma_wait3A_158 : memref<10000x64xf32, #tpu.memory_space<hbm>>) dst(%arg9 : memref<80x64xf32, #tpu.memory_space<vmem>>)
      %dma_start3A_159 = arith.constant 0 : i32
      %dma_start3A_160 = tpu.memref_slice %arg6[%add3A_152, %dma_start3A_159] : memref<125x80xi32, #tpu.memory_space<vmem>> -> memref<1x80xi32, #tpu.memory_space<vmem>>
      %dma_start3A_161 = tpu.memref_squeeze %dma_start3A_160 : memref<1x80xi32, #tpu.memory_space<vmem>> -> memref<80xi32, #tpu.memory_space<vmem>>
      %dma_start3A_162 = arith.constant 0 : i32
      %dma_start3A_163 = arith.constant 0 : i32
      %dma_start3A_164 = tpu.memref_slice %arg12[%dma_start3A_162, %dma_start3A_163] : memref<10000x64xf32, #tpu.memory_space<vmem_shared>> -> memref<10000x64xf32, #tpu.memory_space<vmem_shared>>
      tpu.enqueue_indirect_dma source(%arg9 : memref<80x64xf32, #tpu.memory_space<vmem>>) target(%dma_start3A_164 : memref<10000x64xf32, #tpu.memory_space<vmem_shared>>) offsets(%dma_start3A_161 : memref<80xi32, #tpu.memory_space<vmem>>) semaphore(%arg19 : memref<!tpu.dma_semaphore, #tpu.memory_space<semaphore_mem>>) {add = true}
      %add3A_165 = arith.constant 3 : i32
      %add3A_166 = arith.addi %add3A_152, %add3A_165 : i32
      %lt3A_167 = arith.constant 125 : i32
      %lt3A_168 = arith.cmpi slt, %add3A_166, %lt3A_167 : i32
      %convert_element_type3A_169 = arith.extui %lt3A_168 : i1 to i32
      %cond3A_170 = arith.constant 0 : i32
      %cond3A_171 = arith.cmpi ne, %convert_element_type3A_169, %cond3A_170 : i32
      scf.if %cond3A_171 {
        %ge3A = arith.constant 1 : i32
        %ge3A_196 = arith.cmpi sge, %add3A_152, %ge3A : i32
        %convert_element_type3A_197 = arith.extui %ge3A_196 : i1 to i32
        %cond3A_198 = arith.constant 0 : i32
        %cond3A_199 = arith.cmpi ne, %convert_element_type3A_197, %cond3A_198 : i32
        scf.if %cond3A_199 {
          %sub3A = arith.constant 1 : i32
          %sub3A_208 = arith.subi %add3A_152, %sub3A : i32
          %dma_wait3A_209 = arith.constant 0 : i32
          %dma_wait3A_210 = tpu.memref_slice %arg6[%sub3A_208, %dma_wait3A_209] : memref<125x80xi32, #tpu.memory_space<vmem>> -> memref<1x80xi32, #tpu.memory_space<vmem>>
          %dma_wait3A_211 = tpu.memref_squeeze %dma_wait3A_210 : memref<1x80xi32, #tpu.memory_space<vmem>> -> memref<80xi32, #tpu.memory_space<vmem>>
          %dma_wait3A_212 = arith.constant 0 : i32
          %dma_wait3A_213 = arith.constant 0 : i32
          %dma_wait3A_214 = tpu.memref_slice %arg12[%dma_wait3A_212, %dma_wait3A_213] : memref<10000x64xf32, #tpu.memory_space<vmem_shared>> -> memref<10000x64xf32, #tpu.memory_space<vmem_shared>>
          tpu.wait_indirect_dma semaphore(%arg18 : memref<!tpu.dma_semaphore, #tpu.memory_space<semaphore_mem>>) src(%arg8 : memref<80x64xf32, #tpu.memory_space<vmem>>) dst(%dma_wait3A_214 : memref<10000x64xf32, #tpu.memory_space<vmem_shared>>)
        } else {
        }
        %add3A_200 = arith.constant 3 : i32
        %add3A_201 = arith.addi %add3A_152, %add3A_200 : i32
        %dma_start3A_202 = arith.constant 0 : i32
        %dma_start3A_203 = tpu.memref_slice %arg5[%add3A_201, %dma_start3A_202] : memref<125x80xi32, #tpu.memory_space<vmem>> -> memref<1x80xi32, #tpu.memory_space<vmem>>
        %dma_start3A_204 = tpu.memref_squeeze %dma_start3A_203 : memref<1x80xi32, #tpu.memory_space<vmem>> -> memref<80xi32, #tpu.memory_space<vmem>>
        %dma_start3A_205 = arith.constant 0 : i32
        %dma_start3A_206 = arith.constant 0 : i32
        %dma_start3A_207 = tpu.memref_slice %arg2[%dma_start3A_205, %dma_start3A_206] : memref<10000x64xf32, #tpu.memory_space<hbm>> -> memref<10000x64xf32, #tpu.memory_space<hbm>>
        tpu.enqueue_indirect_dma source(%dma_start3A_207 : memref<10000x64xf32, #tpu.memory_space<hbm>>) target(%arg8 : memref<80x64xf32, #tpu.memory_space<vmem>>) offsets(%dma_start3A_204 : memref<80xi32, #tpu.memory_space<vmem>>) semaphore(%arg14 : memref<!tpu.dma_semaphore, #tpu.memory_space<semaphore_mem>>)
      } else {
      }
      %mul3A_172 = arith.constant 4 : i32
      %mul3A_173 = arith.muli %mul3A_172, %scan3A_101 : i32
      %add3A_174 = arith.constant 3 : i32
      %add3A_175 = arith.addi %mul3A_173, %add3A_174 : i32
      %dma_wait3A_176 = arith.constant 0 : i32
      %dma_wait3A_177 = tpu.memref_slice %arg5[%add3A_175, %dma_wait3A_176] : memref<125x80xi32, #tpu.memory_space<vmem>> -> memref<1x80xi32, #tpu.memory_space<vmem>>
      %dma_wait3A_178 = tpu.memref_squeeze %dma_wait3A_177 : memref<1x80xi32, #tpu.memory_space<vmem>> -> memref<80xi32, #tpu.memory_space<vmem>>
      %dma_wait3A_179 = arith.constant 0 : i32
      %dma_wait3A_180 = arith.constant 0 : i32
      %dma_wait3A_181 = tpu.memref_slice %arg2[%dma_wait3A_179, %dma_wait3A_180] : memref<10000x64xf32, #tpu.memory_space<hbm>> -> memref<10000x64xf32, #tpu.memory_space<hbm>>
      tpu.wait_indirect_dma semaphore(%arg16 : memref<!tpu.dma_semaphore, #tpu.memory_space<semaphore_mem>>) src(%dma_wait3A_181 : memref<10000x64xf32, #tpu.memory_space<hbm>>) dst(%arg10 : memref<80x64xf32, #tpu.memory_space<vmem>>)
      %dma_start3A_182 = arith.constant 0 : i32
      %dma_start3A_183 = tpu.memref_slice %arg6[%add3A_175, %dma_start3A_182] : memref<125x80xi32, #tpu.memory_space<vmem>> -> memref<1x80xi32, #tpu.memory_space<vmem>>
      %dma_start3A_184 = tpu.memref_squeeze %dma_start3A_183 : memref<1x80xi32, #tpu.memory_space<vmem>> -> memref<80xi32, #tpu.memory_space<vmem>>
      %dma_start3A_185 = arith.constant 0 : i32
      %dma_start3A_186 = arith.constant 0 : i32
      %dma_start3A_187 = tpu.memref_slice %arg12[%dma_start3A_185, %dma_start3A_186] : memref<10000x64xf32, #tpu.memory_space<vmem_shared>> -> memref<10000x64xf32, #tpu.memory_space<vmem_shared>>
      tpu.enqueue_indirect_dma source(%arg10 : memref<80x64xf32, #tpu.memory_space<vmem>>) target(%dma_start3A_187 : memref<10000x64xf32, #tpu.memory_space<vmem_shared>>) offsets(%dma_start3A_184 : memref<80xi32, #tpu.memory_space<vmem>>) semaphore(%arg20 : memref<!tpu.dma_semaphore, #tpu.memory_space<semaphore_mem>>) {add = true}
      %add3A_188 = arith.constant 3 : i32
      %add3A_189 = arith.addi %add3A_175, %add3A_188 : i32
      %lt3A_190 = arith.constant 125 : i32
      %lt3A_191 = arith.cmpi slt, %add3A_189, %lt3A_190 : i32
      %convert_element_type3A_192 = arith.extui %lt3A_191 : i1 to i32
      %cond3A_193 = arith.constant 0 : i32
      %cond3A_194 = arith.cmpi ne, %convert_element_type3A_192, %cond3A_193 : i32
      scf.if %cond3A_194 {
        %ge3A = arith.constant 1 : i32
        %ge3A_196 = arith.cmpi sge, %add3A_175, %ge3A : i32
        %convert_element_type3A_197 = arith.extui %ge3A_196 : i1 to i32
        %cond3A_198 = arith.constant 0 : i32
        %cond3A_199 = arith.cmpi ne, %convert_element_type3A_197, %cond3A_198 : i32
        scf.if %cond3A_199 {
          %sub3A = arith.constant 1 : i32
          %sub3A_208 = arith.subi %add3A_175, %sub3A : i32
          %dma_wait3A_209 = arith.constant 0 : i32
          %dma_wait3A_210 = tpu.memref_slice %arg6[%sub3A_208, %dma_wait3A_209] : memref<125x80xi32, #tpu.memory_space<vmem>> -> memref<1x80xi32, #tpu.memory_space<vmem>>
          %dma_wait3A_211 = tpu.memref_squeeze %dma_wait3A_210 : memref<1x80xi32, #tpu.memory_space<vmem>> -> memref<80xi32, #tpu.memory_space<vmem>>
          %dma_wait3A_212 = arith.constant 0 : i32
          %dma_wait3A_213 = arith.constant 0 : i32
          %dma_wait3A_214 = tpu.memref_slice %arg12[%dma_wait3A_212, %dma_wait3A_213] : memref<10000x64xf32, #tpu.memory_space<vmem_shared>> -> memref<10000x64xf32, #tpu.memory_space<vmem_shared>>
          tpu.wait_indirect_dma semaphore(%arg19 : memref<!tpu.dma_semaphore, #tpu.memory_space<semaphore_mem>>) src(%arg9 : memref<80x64xf32, #tpu.memory_space<vmem>>) dst(%dma_wait3A_214 : memref<10000x64xf32, #tpu.memory_space<vmem_shared>>)
        } else {
        }
        %add3A_200 = arith.constant 3 : i32
        %add3A_201 = arith.addi %add3A_175, %add3A_200 : i32
        %dma_start3A_202 = arith.constant 0 : i32
        %dma_start3A_203 = tpu.memref_slice %arg5[%add3A_201, %dma_start3A_202] : memref<125x80xi32, #tpu.memory_space<vmem>> -> memref<1x80xi32, #tpu.memory_space<vmem>>
        %dma_start3A_204 = tpu.memref_squeeze %dma_start3A_203 : memref<1x80xi32, #tpu.memory_space<vmem>> -> memref<80xi32, #tpu.memory_space<vmem>>
        %dma_start3A_205 = arith.constant 0 : i32
        %dma_start3A_206 = arith.constant 0 : i32
        %dma_start3A_207 = tpu.memref_slice %arg2[%dma_start3A_205, %dma_start3A_206] : memref<10000x64xf32, #tpu.memory_space<hbm>> -> memref<10000x64xf32, #tpu.memory_space<hbm>>
        tpu.enqueue_indirect_dma source(%dma_start3A_207 : memref<10000x64xf32, #tpu.memory_space<hbm>>) target(%arg9 : memref<80x64xf32, #tpu.memory_space<vmem>>) offsets(%dma_start3A_204 : memref<80xi32, #tpu.memory_space<vmem>>) semaphore(%arg15 : memref<!tpu.dma_semaphore, #tpu.memory_space<semaphore_mem>>)
      } else {
      }
      %scan3A_195 = arith.constant 0 : i32
      scf.yield %scan3A_195 : i32
    }
    %scan3A_48 = arith.constant 31 : i32
    %dma_wait3A = arith.constant 124 : i32
    %dma_wait3A_49 = arith.constant 0 : i32
    %dma_wait3A_50 = tpu.memref_slice %arg5[%dma_wait3A, %dma_wait3A_49] : memref<125x80xi32, #tpu.memory_space<vmem>> -> memref<1x80xi32, #tpu.memory_space<vmem>>
    %dma_wait3A_51 = tpu.memref_squeeze %dma_wait3A_50 : memref<1x80xi32, #tpu.memory_space<vmem>> -> memref<80xi32, #tpu.memory_space<vmem>>
    %dma_wait3A_52 = arith.constant 0 : i32
    %dma_wait3A_53 = arith.constant 0 : i32
    %dma_wait3A_54 = tpu.memref_slice %arg2[%dma_wait3A_52, %dma_wait3A_53] : memref<10000x64xf32, #tpu.memory_space<hbm>> -> memref<10000x64xf32, #tpu.memory_space<hbm>>
    tpu.wait_indirect_dma semaphore(%arg13 : memref<!tpu.dma_semaphore, #tpu.memory_space<semaphore_mem>>) src(%dma_wait3A_54 : memref<10000x64xf32, #tpu.memory_space<hbm>>) dst(%arg7 : memref<80x64xf32, #tpu.memory_space<vmem>>)
    %dma_start3A_55 = arith.constant 124 : i32
    %dma_start3A_56 = arith.constant 0 : i32
    %dma_start3A_57 = tpu.memref_slice %arg6[%dma_start3A_55, %dma_start3A_56] : memref<125x80xi32, #tpu.memory_space<vmem>> -> memref<1x80xi32, #tpu.memory_space<vmem>>
    %dma_start3A_58 = tpu.memref_squeeze %dma_start3A_57 : memref<1x80xi32, #tpu.memory_space<vmem>> -> memref<80xi32, #tpu.memory_space<vmem>>
    %dma_start3A_59 = arith.constant 0 : i32
    %dma_start3A_60 = arith.constant 0 : i32
    %dma_start3A_61 = tpu.memref_slice %arg12[%dma_start3A_59, %dma_start3A_60] : memref<10000x64xf32, #tpu.memory_space<vmem_shared>> -> memref<10000x64xf32, #tpu.memory_space<vmem_shared>>
    tpu.enqueue_indirect_dma source(%arg7 : memref<80x64xf32, #tpu.memory_space<vmem>>) target(%dma_start3A_61 : memref<10000x64xf32, #tpu.memory_space<vmem_shared>>) offsets(%dma_start3A_58 : memref<80xi32, #tpu.memory_space<vmem>>) semaphore(%arg17 : memref<!tpu.dma_semaphore, #tpu.memory_space<semaphore_mem>>) {add = true}
    %dma_wait3A_62 = arith.constant 124 : i32
    %dma_wait3A_63 = arith.constant 0 : i32
    %dma_wait3A_64 = tpu.memref_slice %arg6[%dma_wait3A_62, %dma_wait3A_63] : memref<125x80xi32, #tpu.memory_space<vmem>> -> memref<1x80xi32, #tpu.memory_space<vmem>>
    %dma_wait3A_65 = tpu.memref_squeeze %dma_wait3A_64 : memref<1x80xi32, #tpu.memory_space<vmem>> -> memref<80xi32, #tpu.memory_space<vmem>>
    %dma_wait3A_66 = arith.constant 0 : i32
    %dma_wait3A_67 = arith.constant 0 : i32
    %dma_wait3A_68 = tpu.memref_slice %arg12[%dma_wait3A_66, %dma_wait3A_67] : memref<10000x64xf32, #tpu.memory_space<vmem_shared>> -> memref<10000x64xf32, #tpu.memory_space<vmem_shared>>
    tpu.wait_indirect_dma semaphore(%arg17 : memref<!tpu.dma_semaphore, #tpu.memory_space<semaphore_mem>>) src(%arg7 : memref<80x64xf32, #tpu.memory_space<vmem>>) dst(%dma_wait3A_68 : memref<10000x64xf32, #tpu.memory_space<vmem_shared>>)
    %dma_wait3A_69 = arith.constant 121 : i32
    %dma_wait3A_70 = arith.constant 0 : i32
    %dma_wait3A_71 = tpu.memref_slice %arg6[%dma_wait3A_69, %dma_wait3A_70] : memref<125x80xi32, #tpu.memory_space<vmem>> -> memref<1x80xi32, #tpu.memory_space<vmem>>
    %dma_wait3A_72 = tpu.memref_squeeze %dma_wait3A_71 : memref<1x80xi32, #tpu.memory_space<vmem>> -> memref<80xi32, #tpu.memory_space<vmem>>
    %dma_wait3A_73 = arith.constant 0 : i32
    %dma_wait3A_74 = arith.constant 0 : i32
    %dma_wait3A_75 = tpu.memref_slice %arg12[%dma_wait3A_73, %dma_wait3A_74] : memref<10000x64xf32, #tpu.memory_space<vmem_shared>> -> memref<10000x64xf32, #tpu.memory_space<vmem_shared>>
    tpu.wait_indirect_dma semaphore(%arg18 : memref<!tpu.dma_semaphore, #tpu.memory_space<semaphore_mem>>) src(%arg8 : memref<80x64xf32, #tpu.memory_space<vmem>>) dst(%dma_wait3A_75 : memref<10000x64xf32, #tpu.memory_space<vmem_shared>>)
    %dma_wait3A_76 = arith.constant 122 : i32
    %dma_wait3A_77 = arith.constant 0 : i32
    %dma_wait3A_78 = tpu.memref_slice %arg6[%dma_wait3A_76, %dma_wait3A_77] : memref<125x80xi32, #tpu.memory_space<vmem>> -> memref<1x80xi32, #tpu.memory_space<vmem>>
    %dma_wait3A_79 = tpu.memref_squeeze %dma_wait3A_78 : memref<1x80xi32, #tpu.memory_space<vmem>> -> memref<80xi32, #tpu.memory_space<vmem>>
    %dma_wait3A_80 = arith.constant 0 : i32
    %dma_wait3A_81 = arith.constant 0 : i32
    %dma_wait3A_82 = tpu.memref_slice %arg12[%dma_wait3A_80, %dma_wait3A_81] : memref<10000x64xf32, #tpu.memory_space<vmem_shared>> -> memref<10000x64xf32, #tpu.memory_space<vmem_shared>>
    tpu.wait_indirect_dma semaphore(%arg19 : memref<!tpu.dma_semaphore, #tpu.memory_space<semaphore_mem>>) src(%arg9 : memref<80x64xf32, #tpu.memory_space<vmem>>) dst(%dma_wait3A_82 : memref<10000x64xf32, #tpu.memory_space<vmem_shared>>)
    %dma_wait3A_83 = arith.constant 123 : i32
    %dma_wait3A_84 = arith.constant 0 : i32
    %dma_wait3A_85 = tpu.memref_slice %arg6[%dma_wait3A_83, %dma_wait3A_84] : memref<125x80xi32, #tpu.memory_space<vmem>> -> memref<1x80xi32, #tpu.memory_space<vmem>>
    %dma_wait3A_86 = tpu.memref_squeeze %dma_wait3A_85 : memref<1x80xi32, #tpu.memory_space<vmem>> -> memref<80xi32, #tpu.memory_space<vmem>>
    %dma_wait3A_87 = arith.constant 0 : i32
    %dma_wait3A_88 = arith.constant 0 : i32
    %dma_wait3A_89 = tpu.memref_slice %arg12[%dma_wait3A_87, %dma_wait3A_88] : memref<10000x64xf32, #tpu.memory_space<vmem_shared>> -> memref<10000x64xf32, #tpu.memory_space<vmem_shared>>
    tpu.wait_indirect_dma semaphore(%arg20 : memref<!tpu.dma_semaphore, #tpu.memory_space<semaphore_mem>>) src(%arg10 : memref<80x64xf32, #tpu.memory_space<vmem>>) dst(%dma_wait3A_89 : memref<10000x64xf32, #tpu.memory_space<vmem_shared>>)
    %barrier3A_90 = arith.constant 0 : index
    tpu.barrier barrier_id(%barrier3A_90)
    %lt3A_91 = arith.constant 15 : i32
    %lt3A_92 = arith.cmpi slt, %arg1, %lt3A_91 : i32
    %convert_element_type3A_93 = arith.extui %lt3A_92 : i1 to i32
    %cond3A_94 = arith.constant 0 : i32
    %cond3A_95 = arith.cmpi ne, %convert_element_type3A_93, %cond3A_94 : i32
    scf.if %cond3A_95 {
      %mul3A_101 = arith.constant 624 : i32
      %mul3A_102 = arith.muli %arg1, %mul3A_101 : i32
      %mul3A_103 = arith.constant 624 : i32
      %mul3A_104 = arith.muli %arg1, %mul3A_103 : i32
      %mul3A_105 = arith.constant 64 : i32
      %mul3A_106 = arith.muli %arg0, %mul3A_105 : i32
      "tpu.region"() ({
        %run_scoped3A_107 = tpu.sem_alloc : memref<!tpu.dma_semaphore, #tpu.memory_space<semaphore_mem>>
        %dma_start3A_108 = tpu.memref_slice %arg4[%mul3A_104, %mul3A_106] : memref<10000x128xf32, #tpu.memory_space<hbm>> -> memref<624x64xf32, #tpu.memory_space<hbm>>
        %dma_start3A_109 = arith.constant 0 : i32
        %dma_start3A_110 = tpu.memref_slice %arg12[%mul3A_102, %dma_start3A_109] : memref<10000x64xf32, #tpu.memory_space<vmem_shared>> -> memref<624x64xf32, #tpu.memory_space<vmem_shared>>
        tpu.enqueue_dma source(%dma_start3A_110 : memref<624x64xf32, #tpu.memory_space<vmem_shared>>) target(%dma_start3A_108 : memref<624x64xf32, #tpu.memory_space<hbm>>) target_semaphore(%run_scoped3A_107 : memref<!tpu.dma_semaphore, #tpu.memory_space<semaphore_mem>>)
        %dma_wait3A_111 = tpu.memref_slice %arg4[%mul3A_104, %mul3A_106] : memref<10000x128xf32, #tpu.memory_space<hbm>> -> memref<624x64xf32, #tpu.memory_space<hbm>>
        %dma_wait3A_112 = arith.constant 0 : i32
        %dma_wait3A_113 = tpu.memref_slice %arg12[%mul3A_102, %dma_wait3A_112] : memref<10000x64xf32, #tpu.memory_space<vmem_shared>> -> memref<624x64xf32, #tpu.memory_space<vmem_shared>>
        tpu.wait_dma2 semaphore(%run_scoped3A_107 : memref<!tpu.dma_semaphore, #tpu.memory_space<semaphore_mem>>) src(%dma_wait3A_113 : memref<624x64xf32, #tpu.memory_space<vmem_shared>>) dst(%dma_wait3A_111 : memref<624x64xf32, #tpu.memory_space<hbm>>)
        tpu.yield
      }) : () -> ()
    } else {
    }
    %eq3A_96 = arith.constant 15 : i32
    %eq3A_97 = arith.cmpi eq, %arg1, %eq3A_96 : i32
    %convert_element_type3A_98 = arith.extui %eq3A_97 : i1 to i32
    %cond3A_99 = arith.constant 0 : i32
    %cond3A_100 = arith.cmpi ne, %convert_element_type3A_98, %cond3A_99 : i32
    scf.if %cond3A_100 {
      %mul3A_101 = arith.constant 64 : i32
      %mul3A_102 = arith.muli %arg0, %mul3A_101 : i32
      "tpu.region"() ({
        %run_scoped3A_103 = tpu.sem_alloc : memref<!tpu.dma_semaphore, #tpu.memory_space<semaphore_mem>>
        %dma_start3A_104 = arith.constant 9360 : i32
        %dma_start3A_105 = tpu.memref_slice %arg4[%dma_start3A_104, %mul3A_102] : memref<10000x128xf32, #tpu.memory_space<hbm>> -> memref<640x64xf32, #tpu.memory_space<hbm>>
        %dma_start3A_106 = arith.constant 9360 : i32
        %dma_start3A_107 = arith.constant 0 : i32
        %dma_start3A_108 = tpu.memref_slice %arg12[%dma_start3A_106, %dma_start3A_107] : memref<10000x64xf32, #tpu.memory_space<vmem_shared>> -> memref<640x64xf32, #tpu.memory_space<vmem_shared>>
        tpu.enqueue_dma source(%dma_start3A_108 : memref<640x64xf32, #tpu.memory_space<vmem_shared>>) target(%dma_start3A_105 : memref<640x64xf32, #tpu.memory_space<hbm>>) target_semaphore(%run_scoped3A_103 : memref<!tpu.dma_semaphore, #tpu.memory_space<semaphore_mem>>)
        %dma_wait3A_109 = arith.constant 9360 : i32
        %dma_wait3A_110 = tpu.memref_slice %arg4[%dma_wait3A_109, %mul3A_102] : memref<10000x128xf32, #tpu.memory_space<hbm>> -> memref<640x64xf32, #tpu.memory_space<hbm>>
        %dma_wait3A_111 = arith.constant 9360 : i32
        %dma_wait3A_112 = arith.constant 0 : i32
        %dma_wait3A_113 = tpu.memref_slice %arg12[%dma_wait3A_111, %dma_wait3A_112] : memref<10000x64xf32, #tpu.memory_space<vmem_shared>> -> memref<640x64xf32, #tpu.memory_space<vmem_shared>>
        tpu.wait_dma2 semaphore(%run_scoped3A_103 : memref<!tpu.dma_semaphore, #tpu.memory_space<semaphore_mem>>) src(%dma_wait3A_113 : memref<640x64xf32, #tpu.memory_space<vmem_shared>>) dst(%dma_wait3A_110 : memref<640x64xf32, #tpu.memory_space<hbm>>)
        tpu.yield
      }) : () -> ()
    } else {
    }
    return
  }
}

module attributes {stable_mosaic.version = 14 : i64} {
  func.func @_dense0_body(%arg0: i32, %arg1: memref<2000x128xf32, #tpu.memory_space<vmem>>, %arg2: memref<128x64xf32, #tpu.memory_space<vmem>>, %arg3: memref<1x64xf32, #tpu.memory_space<vmem>>, %arg4: memref<128x64xf32, #tpu.memory_space<vmem>>, %arg5: memref<1x64xf32, #tpu.memory_space<vmem>>, %arg6: memref<2000x64xf32, #tpu.memory_space<vmem>>, %arg7: memref<2000x64xf32, #tpu.memory_space<vmem>>) attributes {dimension_semantics = [#tpu.dimension_semantics<arbitrary>], iteration_bounds = array<i64: 5>, scalar_prefetch = 0 : i64, scratch_operands = 0 : i64, tpu.core_type = #tpu.core_type<tc>, window_params = [{transform_indices = @transform_0, window_bounds = array<i64: 2000, 128>}, {pipeline_mode = #tpu.pipeline_mode<synchronous>, transform_indices = @transform_1, window_bounds = array<i64: 128, 64>}, {pipeline_mode = #tpu.pipeline_mode<synchronous>, transform_indices = @transform_2, window_bounds = array<i64: 1, 64>}, {pipeline_mode = #tpu.pipeline_mode<synchronous>, transform_indices = @transform_3, window_bounds = array<i64: 128, 64>}, {pipeline_mode = #tpu.pipeline_mode<synchronous>, transform_indices = @transform_4, window_bounds = array<i64: 1, 64>}, {transform_indices = @transform_5, window_bounds = array<i64: 2000, 64>}, {transform_indices = @transform_6, window_bounds = array<i64: 2000, 64>}]} {
    %get3A = arith.constant 0 : index
    %get3A_0 = arith.constant 0 : index
    %get3A_1 = vector.load %arg1[%get3A, %get3A_0] : memref<2000x128xf32, #tpu.memory_space<vmem>>, vector<2000x128xf32>
    %get3A_2 = arith.constant 0 : index
    %get3A_3 = arith.constant 0 : index
    %get3A_4 = vector.load %arg2[%get3A_2, %get3A_3] : memref<128x64xf32, #tpu.memory_space<vmem>>, vector<128x64xf32>
    %dot_general3A = arith.constant dense<0.000000e+00> : vector<2000x64xf32>
    %dot_general3A_5 = tpu.matmul %get3A_1, %get3A_4, %dot_general3A {dimension_numbers = #tpu.dot_dimension_numbers<[1], [0], [0], [1], [0, 0, 1, 1], [], []>, transpose_lhs_hint = false} : vector<2000x128xf32>, vector<128x64xf32>, vector<2000x64xf32> -> vector<2000x64xf32>
    %get3A_6 = arith.constant 0 : index
    %get3A_7 = arith.constant 0 : index
    %get3A_8 = vector.load %arg3[%get3A_6, %get3A_7] : memref<1x64xf32, #tpu.memory_space<vmem>>, vector<1x64xf32>
    %add3A = vector.broadcast %get3A_8 : vector<1x64xf32> to vector<2000x64xf32>
    %add3A_9 = arith.addf %dot_general3A_5, %add3A : vector<2000x64xf32>
    %swap3A = arith.constant 0 : index
    %swap3A_10 = arith.constant 0 : index
    %swap3A_11 = vector.load %arg6[%swap3A, %swap3A_10] : memref<2000x64xf32, #tpu.memory_space<vmem>>, vector<2000x64xf32>
    tpu.vector_store %arg6[%swap3A, %swap3A_10], %add3A_9 {strides = array<i32>} : memref<2000x64xf32, #tpu.memory_space<vmem>>, vector<2000x64xf32>,
    %get3A_12 = arith.constant 0 : index
    %get3A_13 = arith.constant 0 : index
    %get3A_14 = vector.load %arg4[%get3A_12, %get3A_13] : memref<128x64xf32, #tpu.memory_space<vmem>>, vector<128x64xf32>
    %dot_general3A_15 = arith.constant dense<0.000000e+00> : vector<2000x64xf32>
    %dot_general3A_16 = tpu.matmul %get3A_1, %get3A_14, %dot_general3A_15 {dimension_numbers = #tpu.dot_dimension_numbers<[1], [0], [0], [1], [0, 0, 1, 1], [], []>, transpose_lhs_hint = false} : vector<2000x128xf32>, vector<128x64xf32>, vector<2000x64xf32> -> vector<2000x64xf32>
    %get3A_17 = arith.constant 0 : index
    %get3A_18 = arith.constant 0 : index
    %get3A_19 = vector.load %arg5[%get3A_17, %get3A_18] : memref<1x64xf32, #tpu.memory_space<vmem>>, vector<1x64xf32>
    %add3A_20 = vector.broadcast %get3A_19 : vector<1x64xf32> to vector<2000x64xf32>
    %add3A_21 = arith.addf %dot_general3A_16, %add3A_20 : vector<2000x64xf32>
    %max3A = arith.constant 0.000000e+00 : f32
    %max3A_22 = vector.broadcast %max3A : f32 to vector<2000x64xf32>
    %max3A_23 = arith.maximumf %add3A_21, %max3A_22 : vector<2000x64xf32>
    %swap3A_24 = arith.constant 0 : index
    %swap3A_25 = arith.constant 0 : index
    %swap3A_26 = vector.load %arg7[%swap3A_24, %swap3A_25] : memref<2000x64xf32, #tpu.memory_space<vmem>>, vector<2000x64xf32>
    tpu.vector_store %arg7[%swap3A_24, %swap3A_25], %max3A_23 {strides = array<i32>} : memref<2000x64xf32, #tpu.memory_space<vmem>>, vector<2000x64xf32>,
    return
  }
  func.func @transform_0(%arg0: i32) -> (i32, i32) {
    %c0_i32 = arith.constant 0 : i32
    %c0_i32_0 = arith.constant 0 : i32
    return %arg0, %c0_i32 : i32, i32
  }
  func.func @transform_1(%arg0: i32) -> (i32, i32) {
    %c0_i32 = arith.constant 0 : i32
    %c0_i32_0 = arith.constant 0 : i32
    %c0_i32_1 = arith.constant 0 : i32
    return %c0_i32, %c0_i32_0 : i32, i32
  }
  func.func @transform_2(%arg0: i32) -> (i32, i32) {
    %c0_i32 = arith.constant 0 : i32
    %c0_i32_0 = arith.constant 0 : i32
    %c0_i32_1 = arith.constant 0 : i32
    return %c0_i32, %c0_i32_0 : i32, i32
  }
  func.func @transform_3(%arg0: i32) -> (i32, i32) {
    %c0_i32 = arith.constant 0 : i32
    %c0_i32_0 = arith.constant 0 : i32
    %c0_i32_1 = arith.constant 0 : i32
    return %c0_i32, %c0_i32_0 : i32, i32
  }
  func.func @transform_4(%arg0: i32) -> (i32, i32) {
    %c0_i32 = arith.constant 0 : i32
    %c0_i32_0 = arith.constant 0 : i32
    %c0_i32_1 = arith.constant 0 : i32
    return %c0_i32, %c0_i32_0 : i32, i32
  }
  func.func @transform_5(%arg0: i32) -> (i32, i32) {
    %c0_i32 = arith.constant 0 : i32
    %c0_i32_0 = arith.constant 0 : i32
    return %arg0, %c0_i32 : i32, i32
  }
  func.func @transform_6(%arg0: i32) -> (i32, i32) {
    %c0_i32 = arith.constant 0 : i32
    %c0_i32_0 = arith.constant 0 : i32
    return %arg0, %c0_i32 : i32, i32
  }
}

module attributes {stable_mosaic.version = 14 : i64} {
  func.func @_combdense_body(%arg0: i32, %arg1: i32, %arg2: memref<2000x128xf32, #tpu.memory_space<vmem>>, %arg3: memref<2000x64xf32, #tpu.memory_space<vmem>>, %arg4: memref<1x64xf32, #tpu.memory_space<vmem>>, %arg5: memref<1x64xf32, #tpu.memory_space<vmem>>, %arg6: memref<64x64xf32, #tpu.memory_space<vmem>>, %arg7: memref<1x64xf32, #tpu.memory_space<vmem>>, %arg8: memref<64x64xf32, #tpu.memory_space<vmem>>, %arg9: memref<1x64xf32, #tpu.memory_space<vmem>>, %arg10: memref<2000x64xf32, #tpu.memory_space<vmem>>, %arg11: memref<2000x64xf32, #tpu.memory_space<vmem>>, %arg12: memref<10000x64xf32, #tpu.memory_space<vmem>>, %arg13: memref<2x64xf32, #tpu.memory_space<vmem>>) attributes {dimension_semantics = [#tpu.dimension_semantics<arbitrary>, #tpu.dimension_semantics<arbitrary>], iteration_bounds = array<i64: 2, 5>, scalar_prefetch = 0 : i64, scratch_operands = 2 : i64, tpu.core_type = #tpu.core_type<tc>, window_params = [{transform_indices = @transform_0, window_bounds = array<i64: 2000, 128>}, {transform_indices = @transform_1, window_bounds = array<i64: 2000, 64>}, {pipeline_mode = #tpu.pipeline_mode<synchronous>, transform_indices = @transform_2, window_bounds = array<i64: 1, 64>}, {pipeline_mode = #tpu.pipeline_mode<synchronous>, transform_indices = @transform_3, window_bounds = array<i64: 1, 64>}, {pipeline_mode = #tpu.pipeline_mode<synchronous>, transform_indices = @transform_4, window_bounds = array<i64: 64, 64>}, {pipeline_mode = #tpu.pipeline_mode<synchronous>, transform_indices = @transform_5, window_bounds = array<i64: 1, 64>}, {pipeline_mode = #tpu.pipeline_mode<synchronous>, transform_indices = @transform_6, window_bounds = array<i64: 64, 64>}, {pipeline_mode = #tpu.pipeline_mode<synchronous>, transform_indices = @transform_7, window_bounds = array<i64: 1, 64>}, {transform_indices = @transform_8, window_bounds = array<i64: 2000, 64>}, {transform_indices = @transform_9, window_bounds = array<i64: 2000, 64>}]} {
    %eq3A = arith.constant 0 : i32
    %eq3A_0 = arith.cmpi eq, %arg0, %eq3A : i32
    %convert_element_type3A = arith.extui %eq3A_0 : i1 to i32
    %cond3A = arith.constant 0 : i32
    %cond3A_1 = arith.cmpi ne, %convert_element_type3A, %cond3A : i32
    scf.if %cond3A_1 {
      %get3A = arith.constant 0 : index
      %get3A_7 = arith.constant 0 : index
      %get3A_8 = vector.load %arg2[%get3A, %get3A_7] : memref<2000x128xf32, #tpu.memory_space<vmem>>, vector<2000x128xf32>
      %slice3A = vector.extract_strided_slice %get3A_8 {offsets = [0, 0], sizes = [2000, 64], strides = [1, 1]} : vector<2000x128xf32> to vector<2000x64xf32>
      %slice3A_9 = vector.extract_strided_slice %get3A_8 {offsets = [0, 64], sizes = [2000, 64], strides = [1, 1]} : vector<2000x128xf32> to vector<2000x64xf32>
      %add3A = arith.addf %slice3A, %slice3A_9 : vector<2000x64xf32>
      %max3A = arith.constant 0.000000e+00 : f32
      %max3A_10 = vector.broadcast %max3A : f32 to vector<2000x64xf32>
      %max3A_11 = arith.maximumf %add3A, %max3A_10 : vector<2000x64xf32>
      %get3A_12 = arith.constant 0 : index
      %get3A_13 = arith.constant 0 : index
      %get3A_14 = vector.load %arg3[%get3A_12, %get3A_13] : memref<2000x64xf32, #tpu.memory_space<vmem>>, vector<2000x64xf32>
      %add3A_15 = arith.addf %max3A_11, %get3A_14 : vector<2000x64xf32>
      %mul3A = arith.constant 2000 : i32
      %mul3A_16 = arith.muli %arg1, %mul3A : i32
      %swap3A = arith.index_cast %mul3A_16 : i32 to index
      %swap3A_17 = arith.constant 0 : index
      %swap3A_18 = vector.load %arg12[%swap3A, %swap3A_17] : memref<10000x64xf32, #tpu.memory_space<vmem>>, vector<2000x64xf32>
      tpu.vector_store %arg12[%swap3A, %swap3A_17], %add3A_15 {strides = array<i32>} : memref<10000x64xf32, #tpu.memory_space<vmem>>, vector<2000x64xf32>,
      %eq3A_19 = arith.constant 0 : i32
      %eq3A_20 = arith.cmpi eq, %arg1, %eq3A_19 : i32
      %convert_element_type3A_21 = arith.extui %eq3A_20 : i1 to i32
      %cond3A_22 = arith.constant 0 : i32
      %cond3A_23 = arith.cmpi ne, %convert_element_type3A_21, %cond3A_22 : i32
      scf.if %cond3A_23 {
        %broadcast_in_dim3A_36 = arith.constant 0.000000e+00 : f32
        %broadcast_in_dim3A_37 = vector.broadcast %broadcast_in_dim3A_36 : f32 to vector<2x64xf32>
        %swap3A_38 = arith.constant 0 : index
        %swap3A_39 = arith.constant 0 : index
        %swap3A_40 = vector.load %arg13[%swap3A_38, %swap3A_39] : memref<2x64xf32, #tpu.memory_space<vmem>>, vector<2x64xf32>
        tpu.vector_store %arg13[%swap3A_38, %swap3A_39], %broadcast_in_dim3A_37 {strides = array<i32>} : memref<2x64xf32, #tpu.memory_space<vmem>>, vector<2x64xf32>,
      } else {
      }
      %reduce_sum3A = arith.constant dense<0.000000e+00> : vector<64xf32>
      %reduce_sum3A_24 = vector.multi_reduction <add>, %add3A_15, %reduce_sum3A [0] : vector<2000x64xf32> to vector<64xf32>
      %broadcast_in_dim3A = vector.shape_cast %reduce_sum3A_24 : vector<64xf32> to vector<1x64xf32>
      %mul3A_25 = arith.mulf %add3A_15, %add3A_15 : vector<2000x64xf32>
      %reduce_sum3A_26 = arith.constant dense<0.000000e+00> : vector<64xf32>
      %reduce_sum3A_27 = vector.multi_reduction <add>, %mul3A_25, %reduce_sum3A_26 [0] : vector<2000x64xf32> to vector<64xf32>
      %broadcast_in_dim3A_28 = vector.shape_cast %reduce_sum3A_27 : vector<64xf32> to vector<1x64xf32>
      %get3A_29 = arith.constant 0 : index
      %get3A_30 = arith.constant 0 : index
      %get3A_31 = vector.load %arg13[%get3A_29, %get3A_30] : memref<2x64xf32, #tpu.memory_space<vmem>>, vector<2x64xf32>
      %concatenate3A = tpu.concatenate %broadcast_in_dim3A, %broadcast_in_dim3A_28 in 0 : vector<1x64xf32>, vector<1x64xf32> -> vector<2x64xf32>
      %add3A_32 = arith.addf %get3A_31, %concatenate3A : vector<2x64xf32>
      %swap3A_33 = arith.constant 0 : index
      %swap3A_34 = arith.constant 0 : index
      %swap3A_35 = vector.load %arg13[%swap3A_33, %swap3A_34] : memref<2x64xf32, #tpu.memory_space<vmem>>, vector<2x64xf32>
      tpu.vector_store %arg13[%swap3A_33, %swap3A_34], %add3A_32 {strides = array<i32>} : memref<2x64xf32, #tpu.memory_space<vmem>>, vector<2x64xf32>,
    } else {
    }
    %eq3A_2 = arith.constant 1 : i32
    %eq3A_3 = arith.cmpi eq, %arg0, %eq3A_2 : i32
    %convert_element_type3A_4 = arith.extui %eq3A_3 : i1 to i32
    %cond3A_5 = arith.constant 0 : i32
    %cond3A_6 = arith.cmpi ne, %convert_element_type3A_4, %cond3A_5 : i32
    scf.if %cond3A_6 {
      %get3A = arith.constant 0 : index
      %get3A_7 = arith.constant 0 : index
      %get3A_8 = vector.load %arg13[%get3A, %get3A_7] : memref<2x64xf32, #tpu.memory_space<vmem>>, vector<1x64xf32>
      %mul3A = arith.constant 9.99999974E-5 : f32
      %mul3A_9 = vector.broadcast %mul3A : f32 to vector<1x64xf32>
      %mul3A_10 = arith.mulf %get3A_8, %mul3A_9 : vector<1x64xf32>
      %get3A_11 = arith.constant 1 : index
      %get3A_12 = arith.constant 0 : index
      %get3A_13 = vector.load %arg13[%get3A_11, %get3A_12] : memref<2x64xf32, #tpu.memory_space<vmem>>, vector<1x64xf32>
      %mul3A_14 = arith.constant 9.99999974E-5 : f32
      %mul3A_15 = vector.broadcast %mul3A_14 : f32 to vector<1x64xf32>
      %mul3A_16 = arith.mulf %get3A_13, %mul3A_15 : vector<1x64xf32>
      %mul3A_17 = arith.mulf %mul3A_10, %mul3A_10 : vector<1x64xf32>
      %sub3A = arith.subf %mul3A_16, %mul3A_17 : vector<1x64xf32>
      %get3A_18 = arith.constant 0 : index
      %get3A_19 = arith.constant 0 : index
      %get3A_20 = vector.load %arg4[%get3A_18, %get3A_19] : memref<1x64xf32, #tpu.memory_space<vmem>>, vector<1x64xf32>
      %add3A = arith.constant 9.99999974E-6 : f32
      %add3A_21 = vector.broadcast %add3A : f32 to vector<1x64xf32>
      %add3A_22 = arith.addf %sub3A, %add3A_21 : vector<1x64xf32>
      %rsqrt3A = math.rsqrt %add3A_22 : vector<1x64xf32>
      %mul3A_23 = arith.mulf %get3A_20, %rsqrt3A : vector<1x64xf32>
      %get3A_24 = arith.constant 0 : index
      %get3A_25 = arith.constant 0 : index
      %get3A_26 = vector.load %arg5[%get3A_24, %get3A_25] : memref<1x64xf32, #tpu.memory_space<vmem>>, vector<1x64xf32>
      %mul3A_27 = arith.mulf %mul3A_10, %mul3A_23 : vector<1x64xf32>
      %sub3A_28 = arith.subf %get3A_26, %mul3A_27 : vector<1x64xf32>
      %mul3A_29 = arith.constant 2000 : i32
      %mul3A_30 = arith.muli %arg1, %mul3A_29 : i32
      %get3A_31 = arith.index_cast %mul3A_30 : i32 to index
      %get3A_32 = arith.constant 0 : index
      %get3A_33 = vector.load %arg12[%get3A_31, %get3A_32] : memref<10000x64xf32, #tpu.memory_space<vmem>>, vector<2000x64xf32>
      %mul3A_34 = vector.broadcast %mul3A_23 : vector<1x64xf32> to vector<2000x64xf32>
      %mul3A_35 = arith.mulf %get3A_33, %mul3A_34 : vector<2000x64xf32>
      %add3A_36 = vector.broadcast %sub3A_28 : vector<1x64xf32> to vector<2000x64xf32>
      %add3A_37 = arith.addf %mul3A_35, %add3A_36 : vector<2000x64xf32>
      %get3A_38 = arith.constant 0 : index
      %get3A_39 = arith.constant 0 : index
      %get3A_40 = vector.load %arg6[%get3A_38, %get3A_39] : memref<64x64xf32, #tpu.memory_space<vmem>>, vector<64x64xf32>
      %dot_general3A = arith.constant dense<0.000000e+00> : vector<2000x64xf32>
      %dot_general3A_41 = tpu.matmul %add3A_37, %get3A_40, %dot_general3A {dimension_numbers = #tpu.dot_dimension_numbers<[1], [0], [0], [1], [0, 0, 1, 1], [], []>, transpose_lhs_hint = false} : vector<2000x64xf32>, vector<64x64xf32>, vector<2000x64xf32> -> vector<2000x64xf32>
      %get3A_42 = arith.constant 0 : index
      %get3A_43 = arith.constant 0 : index
      %get3A_44 = vector.load %arg7[%get3A_42, %get3A_43] : memref<1x64xf32, #tpu.memory_space<vmem>>, vector<1x64xf32>
      %add3A_45 = vector.broadcast %get3A_44 : vector<1x64xf32> to vector<2000x64xf32>
      %add3A_46 = arith.addf %dot_general3A_41, %add3A_45 : vector<2000x64xf32>
      %swap3A = arith.constant 0 : index
      %swap3A_47 = arith.constant 0 : index
      %swap3A_48 = vector.load %arg10[%swap3A, %swap3A_47] : memref<2000x64xf32, #tpu.memory_space<vmem>>, vector<2000x64xf32>
      tpu.vector_store %arg10[%swap3A, %swap3A_47], %add3A_46 {strides = array<i32>} : memref<2000x64xf32, #tpu.memory_space<vmem>>, vector<2000x64xf32>,
      %get3A_49 = arith.constant 0 : index
      %get3A_50 = arith.constant 0 : index
      %get3A_51 = vector.load %arg8[%get3A_49, %get3A_50] : memref<64x64xf32, #tpu.memory_space<vmem>>, vector<64x64xf32>
      %dot_general3A_52 = arith.constant dense<0.000000e+00> : vector<2000x64xf32>
      %dot_general3A_53 = tpu.matmul %add3A_37, %get3A_51, %dot_general3A_52 {dimension_numbers = #tpu.dot_dimension_numbers<[1], [0], [0], [1], [0, 0, 1, 1], [], []>, transpose_lhs_hint = false} : vector<2000x64xf32>, vector<64x64xf32>, vector<2000x64xf32> -> vector<2000x64xf32>
      %get3A_54 = arith.constant 0 : index
      %get3A_55 = arith.constant 0 : index
      %get3A_56 = vector.load %arg9[%get3A_54, %get3A_55] : memref<1x64xf32, #tpu.memory_space<vmem>>, vector<1x64xf32>
      %add3A_57 = vector.broadcast %get3A_56 : vector<1x64xf32> to vector<2000x64xf32>
      %add3A_58 = arith.addf %dot_general3A_53, %add3A_57 : vector<2000x64xf32>
      %max3A = arith.constant 0.000000e+00 : f32
      %max3A_59 = vector.broadcast %max3A : f32 to vector<2000x64xf32>
      %max3A_60 = arith.maximumf %add3A_58, %max3A_59 : vector<2000x64xf32>
      %swap3A_61 = arith.constant 0 : index
      %swap3A_62 = arith.constant 0 : index
      %swap3A_63 = vector.load %arg11[%swap3A_61, %swap3A_62] : memref<2000x64xf32, #tpu.memory_space<vmem>>, vector<2000x64xf32>
      tpu.vector_store %arg11[%swap3A_61, %swap3A_62], %max3A_60 {strides = array<i32>} : memref<2000x64xf32, #tpu.memory_space<vmem>>, vector<2000x64xf32>,
    } else {
    }
    return
  }
  func.func @transform_0(%arg0: i32, %arg1: i32) -> (i32, i32) {
    %eq3A = arith.constant 0 : i32
    %eq3A_0 = arith.cmpi eq, %arg0, %eq3A : i32
    %jit3A = arith.constant 4 : i32
    %select_n3A = arith.select %eq3A_0, %arg1, %jit3A : i32
    %c0_i32 = arith.constant 0 : i32
    %c0_i32_1 = arith.constant 0 : i32
    return %select_n3A, %c0_i32 : i32, i32
  }
  func.func @transform_1(%arg0: i32, %arg1: i32) -> (i32, i32) {
    %eq3A = arith.constant 0 : i32
    %eq3A_0 = arith.cmpi eq, %arg0, %eq3A : i32
    %jit3A = arith.constant 4 : i32
    %select_n3A = arith.select %eq3A_0, %arg1, %jit3A : i32
    %c0_i32 = arith.constant 0 : i32
    %c0_i32_1 = arith.constant 0 : i32
    return %select_n3A, %c0_i32 : i32, i32
  }
  func.func @transform_2(%arg0: i32, %arg1: i32) -> (i32, i32) {
    %c0_i32 = arith.constant 0 : i32
    %c0_i32_0 = arith.constant 0 : i32
    %c0_i32_1 = arith.constant 0 : i32
    return %c0_i32, %c0_i32_0 : i32, i32
  }
  func.func @transform_3(%arg0: i32, %arg1: i32) -> (i32, i32) {
    %c0_i32 = arith.constant 0 : i32
    %c0_i32_0 = arith.constant 0 : i32
    %c0_i32_1 = arith.constant 0 : i32
    return %c0_i32, %c0_i32_0 : i32, i32
  }
  func.func @transform_4(%arg0: i32, %arg1: i32) -> (i32, i32) {
    %c0_i32 = arith.constant 0 : i32
    %c0_i32_0 = arith.constant 0 : i32
    %c0_i32_1 = arith.constant 0 : i32
    return %c0_i32, %c0_i32_0 : i32, i32
  }
  func.func @transform_5(%arg0: i32, %arg1: i32) -> (i32, i32) {
    %c0_i32 = arith.constant 0 : i32
    %c0_i32_0 = arith.constant 0 : i32
    %c0_i32_1 = arith.constant 0 : i32
    return %c0_i32, %c0_i32_0 : i32, i32
  }
  func.func @transform_6(%arg0: i32, %arg1: i32) -> (i32, i32) {
    %c0_i32 = arith.constant 0 : i32
    %c0_i32_0 = arith.constant 0 : i32
    %c0_i32_1 = arith.constant 0 : i32
    return %c0_i32, %c0_i32_0 : i32, i32
  }
  func.func @transform_7(%arg0: i32, %arg1: i32) -> (i32, i32) {
    %c0_i32 = arith.constant 0 : i32
    %c0_i32_0 = arith.constant 0 : i32
    %c0_i32_1 = arith.constant 0 : i32
    return %c0_i32, %c0_i32_0 : i32, i32
  }
  func.func @transform_8(%arg0: i32, %arg1: i32) -> (i32, i32) {
    %eq3A = arith.constant 0 : i32
    %eq3A_0 = arith.cmpi eq, %arg0, %eq3A : i32
    %jit3A = arith.constant 0 : i32
    %select_n3A = arith.select %eq3A_0, %jit3A, %arg1 : i32
    %c0_i32 = arith.constant 0 : i32
    %c0_i32_1 = arith.constant 0 : i32
    return %select_n3A, %c0_i32 : i32, i32
  }
  func.func @transform_9(%arg0: i32, %arg1: i32) -> (i32, i32) {
    %eq3A = arith.constant 0 : i32
    %eq3A_0 = arith.cmpi eq, %arg0, %eq3A : i32
    %jit3A = arith.constant 0 : i32
    %select_n3A = arith.select %eq3A_0, %jit3A, %arg1 : i32
    %c0_i32 = arith.constant 0 : i32
    %c0_i32_1 = arith.constant 0 : i32
    return %select_n3A, %c0_i32 : i32, i32
  }
}

module attributes {stable_mosaic.version = 14 : i64} {
  func.func @_combhead_body(%arg0: i32, %arg1: i32, %arg2: memref<2000x128xf32, #tpu.memory_space<vmem>>, %arg3: memref<2000x64xf32, #tpu.memory_space<vmem>>, %arg4: memref<1x64xf32, #tpu.memory_space<vmem>>, %arg5: memref<1x64xf32, #tpu.memory_space<vmem>>, %arg6: memref<64x2xf32, #tpu.memory_space<vmem>>, %arg7: memref<1x2xf32, #tpu.memory_space<vmem>>, %arg8: memref<2000x2xf32, #tpu.memory_space<vmem>>, %arg9: memref<10000x64xf32, #tpu.memory_space<vmem>>, %arg10: memref<2x64xf32, #tpu.memory_space<vmem>>) attributes {dimension_semantics = [#tpu.dimension_semantics<arbitrary>, #tpu.dimension_semantics<arbitrary>], iteration_bounds = array<i64: 2, 5>, scalar_prefetch = 0 : i64, scratch_operands = 2 : i64, tpu.core_type = #tpu.core_type<tc>, window_params = [{transform_indices = @transform_0, window_bounds = array<i64: 2000, 128>}, {transform_indices = @transform_1, window_bounds = array<i64: 2000, 64>}, {pipeline_mode = #tpu.pipeline_mode<synchronous>, transform_indices = @transform_2, window_bounds = array<i64: 1, 64>}, {pipeline_mode = #tpu.pipeline_mode<synchronous>, transform_indices = @transform_3, window_bounds = array<i64: 1, 64>}, {pipeline_mode = #tpu.pipeline_mode<synchronous>, transform_indices = @transform_4, window_bounds = array<i64: 64, 2>}, {pipeline_mode = #tpu.pipeline_mode<synchronous>, transform_indices = @transform_5, window_bounds = array<i64: 1, 2>}, {transform_indices = @transform_6, window_bounds = array<i64: 2000, 2>}]} {
    %eq3A = arith.constant 0 : i32
    %eq3A_0 = arith.cmpi eq, %arg0, %eq3A : i32
    %convert_element_type3A = arith.extui %eq3A_0 : i1 to i32
    %cond3A = arith.constant 0 : i32
    %cond3A_1 = arith.cmpi ne, %convert_element_type3A, %cond3A : i32
    scf.if %cond3A_1 {
      %get3A = arith.constant 0 : index
      %get3A_7 = arith.constant 0 : index
      %get3A_8 = vector.load %arg2[%get3A, %get3A_7] : memref<2000x128xf32, #tpu.memory_space<vmem>>, vector<2000x128xf32>
      %slice3A = vector.extract_strided_slice %get3A_8 {offsets = [0, 0], sizes = [2000, 64], strides = [1, 1]} : vector<2000x128xf32> to vector<2000x64xf32>
      %slice3A_9 = vector.extract_strided_slice %get3A_8 {offsets = [0, 64], sizes = [2000, 64], strides = [1, 1]} : vector<2000x128xf32> to vector<2000x64xf32>
      %add3A = arith.addf %slice3A, %slice3A_9 : vector<2000x64xf32>
      %max3A = arith.constant 0.000000e+00 : f32
      %max3A_10 = vector.broadcast %max3A : f32 to vector<2000x64xf32>
      %max3A_11 = arith.maximumf %add3A, %max3A_10 : vector<2000x64xf32>
      %get3A_12 = arith.constant 0 : index
      %get3A_13 = arith.constant 0 : index
      %get3A_14 = vector.load %arg3[%get3A_12, %get3A_13] : memref<2000x64xf32, #tpu.memory_space<vmem>>, vector<2000x64xf32>
      %add3A_15 = arith.addf %max3A_11, %get3A_14 : vector<2000x64xf32>
      %mul3A = arith.constant 2000 : i32
      %mul3A_16 = arith.muli %arg1, %mul3A : i32
      %swap3A = arith.index_cast %mul3A_16 : i32 to index
      %swap3A_17 = arith.constant 0 : index
      %swap3A_18 = vector.load %arg9[%swap3A, %swap3A_17] : memref<10000x64xf32, #tpu.memory_space<vmem>>, vector<2000x64xf32>
      tpu.vector_store %arg9[%swap3A, %swap3A_17], %add3A_15 {strides = array<i32>} : memref<10000x64xf32, #tpu.memory_space<vmem>>, vector<2000x64xf32>,
      %eq3A_19 = arith.constant 0 : i32
      %eq3A_20 = arith.cmpi eq, %arg1, %eq3A_19 : i32
      %convert_element_type3A_21 = arith.extui %eq3A_20 : i1 to i32
      %cond3A_22 = arith.constant 0 : i32
      %cond3A_23 = arith.cmpi ne, %convert_element_type3A_21, %cond3A_22 : i32
      scf.if %cond3A_23 {
        %broadcast_in_dim3A_36 = arith.constant 0.000000e+00 : f32
        %broadcast_in_dim3A_37 = vector.broadcast %broadcast_in_dim3A_36 : f32 to vector<2x64xf32>
        %swap3A_38 = arith.constant 0 : index
        %swap3A_39 = arith.constant 0 : index
        %swap3A_40 = vector.load %arg10[%swap3A_38, %swap3A_39] : memref<2x64xf32, #tpu.memory_space<vmem>>, vector<2x64xf32>
        tpu.vector_store %arg10[%swap3A_38, %swap3A_39], %broadcast_in_dim3A_37 {strides = array<i32>} : memref<2x64xf32, #tpu.memory_space<vmem>>, vector<2x64xf32>,
      } else {
      }
      %reduce_sum3A = arith.constant dense<0.000000e+00> : vector<64xf32>
      %reduce_sum3A_24 = vector.multi_reduction <add>, %add3A_15, %reduce_sum3A [0] : vector<2000x64xf32> to vector<64xf32>
      %broadcast_in_dim3A = vector.shape_cast %reduce_sum3A_24 : vector<64xf32> to vector<1x64xf32>
      %mul3A_25 = arith.mulf %add3A_15, %add3A_15 : vector<2000x64xf32>
      %reduce_sum3A_26 = arith.constant dense<0.000000e+00> : vector<64xf32>
      %reduce_sum3A_27 = vector.multi_reduction <add>, %mul3A_25, %reduce_sum3A_26 [0] : vector<2000x64xf32> to vector<64xf32>
      %broadcast_in_dim3A_28 = vector.shape_cast %reduce_sum3A_27 : vector<64xf32> to vector<1x64xf32>
      %get3A_29 = arith.constant 0 : index
      %get3A_30 = arith.constant 0 : index
      %get3A_31 = vector.load %arg10[%get3A_29, %get3A_30] : memref<2x64xf32, #tpu.memory_space<vmem>>, vector<2x64xf32>
      %concatenate3A = tpu.concatenate %broadcast_in_dim3A, %broadcast_in_dim3A_28 in 0 : vector<1x64xf32>, vector<1x64xf32> -> vector<2x64xf32>
      %add3A_32 = arith.addf %get3A_31, %concatenate3A : vector<2x64xf32>
      %swap3A_33 = arith.constant 0 : index
      %swap3A_34 = arith.constant 0 : index
      %swap3A_35 = vector.load %arg10[%swap3A_33, %swap3A_34] : memref<2x64xf32, #tpu.memory_space<vmem>>, vector<2x64xf32>
      tpu.vector_store %arg10[%swap3A_33, %swap3A_34], %add3A_32 {strides = array<i32>} : memref<2x64xf32, #tpu.memory_space<vmem>>, vector<2x64xf32>,
    } else {
    }
    %eq3A_2 = arith.constant 1 : i32
    %eq3A_3 = arith.cmpi eq, %arg0, %eq3A_2 : i32
    %convert_element_type3A_4 = arith.extui %eq3A_3 : i1 to i32
    %cond3A_5 = arith.constant 0 : i32
    %cond3A_6 = arith.cmpi ne, %convert_element_type3A_4, %cond3A_5 : i32
    scf.if %cond3A_6 {
      %get3A = arith.constant 0 : index
      %get3A_7 = arith.constant 0 : index
      %get3A_8 = vector.load %arg10[%get3A, %get3A_7] : memref<2x64xf32, #tpu.memory_space<vmem>>, vector<1x64xf32>
      %mul3A = arith.constant 9.99999974E-5 : f32
      %mul3A_9 = vector.broadcast %mul3A : f32 to vector<1x64xf32>
      %mul3A_10 = arith.mulf %get3A_8, %mul3A_9 : vector<1x64xf32>
      %get3A_11 = arith.constant 1 : index
      %get3A_12 = arith.constant 0 : index
      %get3A_13 = vector.load %arg10[%get3A_11, %get3A_12] : memref<2x64xf32, #tpu.memory_space<vmem>>, vector<1x64xf32>
      %mul3A_14 = arith.constant 9.99999974E-5 : f32
      %mul3A_15 = vector.broadcast %mul3A_14 : f32 to vector<1x64xf32>
      %mul3A_16 = arith.mulf %get3A_13, %mul3A_15 : vector<1x64xf32>
      %mul3A_17 = arith.mulf %mul3A_10, %mul3A_10 : vector<1x64xf32>
      %sub3A = arith.subf %mul3A_16, %mul3A_17 : vector<1x64xf32>
      %get3A_18 = arith.constant 0 : index
      %get3A_19 = arith.constant 0 : index
      %get3A_20 = vector.load %arg4[%get3A_18, %get3A_19] : memref<1x64xf32, #tpu.memory_space<vmem>>, vector<1x64xf32>
      %add3A = arith.constant 9.99999974E-6 : f32
      %add3A_21 = vector.broadcast %add3A : f32 to vector<1x64xf32>
      %add3A_22 = arith.addf %sub3A, %add3A_21 : vector<1x64xf32>
      %rsqrt3A = math.rsqrt %add3A_22 : vector<1x64xf32>
      %mul3A_23 = arith.mulf %get3A_20, %rsqrt3A : vector<1x64xf32>
      %get3A_24 = arith.constant 0 : index
      %get3A_25 = arith.constant 0 : index
      %get3A_26 = vector.load %arg5[%get3A_24, %get3A_25] : memref<1x64xf32, #tpu.memory_space<vmem>>, vector<1x64xf32>
      %mul3A_27 = arith.mulf %mul3A_10, %mul3A_23 : vector<1x64xf32>
      %sub3A_28 = arith.subf %get3A_26, %mul3A_27 : vector<1x64xf32>
      %mul3A_29 = arith.constant 2000 : i32
      %mul3A_30 = arith.muli %arg1, %mul3A_29 : i32
      %get3A_31 = arith.index_cast %mul3A_30 : i32 to index
      %get3A_32 = arith.constant 0 : index
      %get3A_33 = vector.load %arg9[%get3A_31, %get3A_32] : memref<10000x64xf32, #tpu.memory_space<vmem>>, vector<2000x64xf32>
      %mul3A_34 = vector.broadcast %mul3A_23 : vector<1x64xf32> to vector<2000x64xf32>
      %mul3A_35 = arith.mulf %get3A_33, %mul3A_34 : vector<2000x64xf32>
      %add3A_36 = vector.broadcast %sub3A_28 : vector<1x64xf32> to vector<2000x64xf32>
      %add3A_37 = arith.addf %mul3A_35, %add3A_36 : vector<2000x64xf32>
      %get3A_38 = arith.constant 0 : index
      %get3A_39 = arith.constant 0 : index
      %get3A_40 = vector.load %arg6[%get3A_38, %get3A_39] : memref<64x2xf32, #tpu.memory_space<vmem>>, vector<64x2xf32>
      %dot_general3A = arith.constant dense<0.000000e+00> : vector<2000x2xf32>
      %dot_general3A_41 = tpu.matmul %add3A_37, %get3A_40, %dot_general3A {dimension_numbers = #tpu.dot_dimension_numbers<[1], [0], [0], [1], [0, 0, 1, 1], [], []>, transpose_lhs_hint = false} : vector<2000x64xf32>, vector<64x2xf32>, vector<2000x2xf32> -> vector<2000x2xf32>
      %get3A_42 = arith.constant 0 : index
      %get3A_43 = arith.constant 0 : index
      %get3A_44 = vector.load %arg7[%get3A_42, %get3A_43] : memref<1x2xf32, #tpu.memory_space<vmem>>, vector<1x2xf32>
      %add3A_45 = vector.broadcast %get3A_44 : vector<1x2xf32> to vector<2000x2xf32>
      %add3A_46 = arith.addf %dot_general3A_41, %add3A_45 : vector<2000x2xf32>
      %reduce_max3A = arith.constant dense<0xFF800000> : vector<2000xf32>
      %reduce_max3A_47 = vector.multi_reduction <maximumf>, %add3A_46, %reduce_max3A [1] : vector<2000x2xf32> to vector<2000xf32>
      %broadcast_in_dim3A = vector.shape_cast %reduce_max3A_47 : vector<2000xf32> to vector<2000x1xf32>
      %sub3A_48 = vector.broadcast %broadcast_in_dim3A : vector<2000x1xf32> to vector<2000x2xf32>
      %sub3A_49 = arith.subf %add3A_46, %sub3A_48 : vector<2000x2xf32>
      %exp3A = math.exp %sub3A_49 : vector<2000x2xf32>
      %reduce_sum3A = arith.constant dense<0.000000e+00> : vector<2000xf32>
      %reduce_sum3A_50 = vector.multi_reduction <add>, %exp3A, %reduce_sum3A [1] : vector<2000x2xf32> to vector<2000xf32>
      %broadcast_in_dim3A_51 = vector.shape_cast %reduce_sum3A_50 : vector<2000xf32> to vector<2000x1xf32>
      %div3A = vector.broadcast %broadcast_in_dim3A_51 : vector<2000x1xf32> to vector<2000x2xf32>
      %div3A_52 = arith.divf %exp3A, %div3A : vector<2000x2xf32>
      %swap3A = arith.constant 0 : index
      %swap3A_53 = arith.constant 0 : index
      %swap3A_54 = vector.load %arg8[%swap3A, %swap3A_53] : memref<2000x2xf32, #tpu.memory_space<vmem>>, vector<2000x2xf32>
      tpu.vector_store %arg8[%swap3A, %swap3A_53], %div3A_52 {strides = array<i32>} : memref<2000x2xf32, #tpu.memory_space<vmem>>, vector<2000x2xf32>,
    } else {
    }
    return
  }
  func.func @transform_0(%arg0: i32, %arg1: i32) -> (i32, i32) {
    %eq3A = arith.constant 0 : i32
    %eq3A_0 = arith.cmpi eq, %arg0, %eq3A : i32
    %jit3A = arith.constant 4 : i32
    %select_n3A = arith.select %eq3A_0, %arg1, %jit3A : i32
    %c0_i32 = arith.constant 0 : i32
    %c0_i32_1 = arith.constant 0 : i32
    return %select_n3A, %c0_i32 : i32, i32
  }
  func.func @transform_1(%arg0: i32, %arg1: i32) -> (i32, i32) {
    %eq3A = arith.constant 0 : i32
    %eq3A_0 = arith.cmpi eq, %arg0, %eq3A : i32
    %jit3A = arith.constant 4 : i32
    %select_n3A = arith.select %eq3A_0, %arg1, %jit3A : i32
    %c0_i32 = arith.constant 0 : i32
    %c0_i32_1 = arith.constant 0 : i32
    return %select_n3A, %c0_i32 : i32, i32
  }
  func.func @transform_2(%arg0: i32, %arg1: i32) -> (i32, i32) {
    %c0_i32 = arith.constant 0 : i32
    %c0_i32_0 = arith.constant 0 : i32
    %c0_i32_1 = arith.constant 0 : i32
    return %c0_i32, %c0_i32_0 : i32, i32
  }
  func.func @transform_3(%arg0: i32, %arg1: i32) -> (i32, i32) {
    %c0_i32 = arith.constant 0 : i32
    %c0_i32_0 = arith.constant 0 : i32
    %c0_i32_1 = arith.constant 0 : i32
    return %c0_i32, %c0_i32_0 : i32, i32
  }
  func.func @transform_4(%arg0: i32, %arg1: i32) -> (i32, i32) {
    %c0_i32 = arith.constant 0 : i32
    %c0_i32_0 = arith.constant 0 : i32
    %c0_i32_1 = arith.constant 0 : i32
    return %c0_i32, %c0_i32_0 : i32, i32
  }
  func.func @transform_5(%arg0: i32, %arg1: i32) -> (i32, i32) {
    %c0_i32 = arith.constant 0 : i32
    %c0_i32_0 = arith.constant 0 : i32
    %c0_i32_1 = arith.constant 0 : i32
    return %c0_i32, %c0_i32_0 : i32, i32
  }
  func.func @transform_6(%arg0: i32, %arg1: i32) -> (i32, i32) {
    %eq3A = arith.constant 0 : i32
    %eq3A_0 = arith.cmpi eq, %arg0, %eq3A : i32
    %jit3A = arith.constant 0 : i32
    %select_n3A = arith.select %eq3A_0, %jit3A, %arg1 : i32
    %c0_i32 = arith.constant 0 : i32
    %c0_i32_1 = arith.constant 0 : i32
    return %select_n3A, %c0_i32 : i32, i32
  }
}

</mosaic_0001>

<sc_bundles>
// kernel: kernel.10.cloned.1.call-start
scs
__scs_entry_jumppad:
0x0: {  	(pc) =	sbr.rel $0x88, $3  }
0x1: {  	(tag) =	ssettag $0x0;
	lr =	simm.s32 $0x1  }
0x2: {  	[smem:$0x3F91] =	sst lr;
	_ =	strace $0xD0000000  }
0x3: {  	_ = 	snop  }
0x4: {  	_ = 	snop  }
0x5: {  	_ = 	snop  }
0x6: {  	_ = 	snop  }
0x7: {  	_ = 	snop  }
__scs_overlays_trampoline_lowered:
0x8: {  	[smem:$0x3FA0] =	sst s0  }
0x9: {  	[smem:$0x3FA1] =	sst s1  }
0xa: {  	[smem:$0x3FA2] =	sst s2  }
0xb: {  	[smem:$0x3FA3] =	sst s3  }
0xc: {  	[smem:$0x3FA4] =	sst s4  }
0xd: {  	[smem:$0x3FA5] =	sst s5  }
0xe: {  	[smem:$0x3FA6] =	sst s6  }
0xf: {  	[smem:$0x3FA7] =	sst s7  }
0x10: {  	[smem:$0x3FA8] =	sst s8  }
0x11: {  	[smem:$0x3FA9] =	sst s9;
	s0 =	simm.s32 @!p0 $0x0  }
0x12: {  	s1 =	sld [smem:$0x3F8F];
	s0 =	simm.s32 @p0 $0x1  }
0x13: {  	[smem:$0x3FAA] =	sst s0;
	s0 =	simm.s32 @!p1 $0x0  }
0x14: {  	s2 =	sld [smem:$0x3F8E];
	s0 =	simm.s32 @p1 $0x1  }
0x15: {  	[smem:$0x3FAB] =	sst s0;
	s0 =	simm.s32 @!p2 $0x0  }
0x16: {  	s3 =	sld [smem:$0x3FDB];
	s0 =	simm.s32 @p2 $0x1  }
0x17: {  	s4 =	simm.s32 $0x1BF5;
	[smem:$0x3FAD] =	sst s0  }
0x18: {  	s0 =	sld [smem:$0x3F90];
	_ =	swait.ge [sflag:s4], $0x0  }
0x19: {  	s7 =	sld [smem:$0x3F91]  }
0x1a: {  	s8 =	sadd.s32 $0xFFFFE003, lr  }
0x1b: {  	s9 =	sadd.s32 $0xFFFFFEF7, lr;
	s5 =	simm.s32 $0xFFFFFFFF;
	p2 =	slt.u32 s8, $0xFFFFF086  }
0x1c: {  	p1 =	slt.u32 s9, $0xF7A;
	s5 =	simm.s32 @!p2 $0x0  }
0x1d: {  	s5 =	simm.s32 @p1 $0x1;
	p0 =	seq.s32 s7, s2  }
0x1e: {  	s7 =	smul.u32 @!p0 $0xF7A, s2;
	p2 =	seq.s32 @!p0 s5, $0x0  }
0x1f: {  	s9 =	smul.u32 $0xF7A, s1;
	s8 =	simm.s32 @!p0 $0x1BF5;
	p2 =	por !p2, p0  }
0x20: {  	[sflag:s8] =	ssyncset.s32 @!p0 $0xFFFFF086;
	s6 =	sadd.s32 @!p0 s3, s7;
	s7 =	simm.s32 @!p0 $0x108  }
0x21: {  	s3 =	sadd.s32 s3, s9;
	s6 =	sadd.s32 @!p0 $0x88, s6;
	s7 =	simm.s32 @p2 $0x1082  }
0x22: {  	[simem:s7], [sflag:s8] =	dma.local @!p0 [hbm:s6], $0xF7A  }
0x23: {  	s9 =	sor.u32 $0xD0000000, s2;
	s6 =	simm.s32 $0x108;
	_ =	swait.ge @!p0 [sflag:s8], $0x0  }
0x24: {  	s3 =	sadd.s32 $0x88, s3;
	s6 =	simm.s32 @!p1 $0x1082;
	[sflag:s4] =	ssyncset.s32 $0xFFFFF086  }
0x25: {  	[simem:s6], [sflag:s4] =	dma.local [hbm:s3], $0xF7A  }
0x26: {  	[smem:$0x3F91] =	sst s1;
	(tag) =	ssettag s2;
	_ =	strace s9  }
0x27: {  	s1 =	sld [smem:$0x3FA1]  }
0x28: {  	s2 =	sld [smem:$0x3FA2]  }
0x29: {  	s4 =	sld [smem:$0x3FA4]  }
0x2a: {  	p0 =	seq.s32 s5, $0x0;
	s5 =	sld [smem:$0x3FA5]  }
0x2b: {  	s6 =	sld [smem:$0x3FA6]  }
0x2c: {  	s7 =	sld [smem:$0x3FA7]  }
0x2d: {  	s3 =	simm.s32 $0x108;
	s8 =	sld [smem:$0x3FA8]  }
0x2e: {  	s3 =	simm.s32 @!p0 $0x1082;
	s9 =	sld [smem:$0x3FA9]  }
0x2f: {  	lr =	sadd.s32 s0, s3;
	s0 =	sld [smem:$0x3FA0]  }
0x30: {  	s3 =	sld [smem:$0x3FA3]  }
0x31: {  	[smem:$0x3FAC] =	sst s10  }
0x32: {  	s10 =	sld [smem:$0x3FAA];
	_ =	sdelay $0x3  }
0x33: {  	p0 =	seq.s32 s10, $0x1;
	s10 =	sld [smem:$0x3FAC];
	_ =	sdelay $0x3  }
0x34: {  	[smem:$0x3FAC] =	sst s10  }
0x35: {  	s10 =	sld [smem:$0x3FAB];
	_ =	sdelay $0x3  }
0x36: {  	p1 =	seq.s32 s10, $0x1;
	s10 =	sld [smem:$0x3FAC];
	_ =	sdelay $0x3  }
0x37: {  	[smem:$0x3FAC] =	sst s10  }
0x38: {  	s10 =	sld [smem:$0x3FAD]  }
0x39: {  	_ = 	snop;
	(pc) =	sbr.ind lr, $3  }
0x3a: {  	_ = 	snop  }
0x3b: {  	_ = 	snop  }
0x3c: {  	p2 =	seq.s32 s10, $0x1;
	s10 =	sld [smem:$0x3FAC]  }
0x3d: {  	_ =	shalt  }
0x3e: {  	_ =	shalt  }
0x3f: {  	_ =	shalt  }
0x40: {  	_ =	shalt  }
0x41: {  	_ =	shalt  }
0x42: {  	_ =	shalt  }
0x43: {  	_ =	shalt  }
0x44: {  	_ =	shalt  }
0x45: {  	_ =	shalt  }
0x46: {  	_ =	shalt  }
0x47: {  	_ =	shalt  }
0x48: {  	_ =	shalt  }
0x49: {  	_ =	shalt  }
0x4a: {  	_ =	shalt  }
0x4b: {  	_ =	shalt  }
0x4c: {  	_ =	shalt  }
0x4d: {  	_ =	shalt  }
0x4e: {  	_ =	shalt  }
0x4f: {  	_ =	shalt  }
0x50: {  	_ =	shalt  }
0x51: {  	_ =	shalt  }
0x52: {  	_ =	shalt  }
0x53: {  	_ =	shalt  }
0x54: {  	_ =	shalt  }
0x55: {  	_ =	shalt  }
0x56: {  	_ =	shalt  }
0x57: {  	_ =	shalt  }
0x58: {  	_ =	shalt  }
0x59: {  	_ =	shalt  }
0x5a: {  	_ =	shalt  }
0x5b: {  	_ =	shalt  }
0x5c: {  	_ =	shalt  }
0x5d: {  	_ =	shalt  }
0x5e: {  	_ =	shalt  }
0x5f: {  	_ =	shalt  }
0x60: {  	_ =	shalt  }
0x61: {  	_ =	shalt  }
0x62: {  	_ =	shalt  }
0x63: {  	_ =	shalt  }
0x64: {  	_ =	shalt  }
0x65: {  	_ =	shalt  }
0x66: {  	_ =	shalt  }
0x67: {  	_ =	shalt  }
0x68: {  	_ =	shalt  }
0x69: {  	_ =	shalt  }
0x6a: {  	_ =	shalt  }
0x6b: {  	_ =	shalt  }
0x6c: {  	_ =	shalt  }
0x6d: {  	_ =	shalt  }
0x6e: {  	_ =	shalt  }
0x6f: {  	_ =	shalt  }
0x70: {  	_ =	shalt  }
0x71: {  	_ =	shalt  }
0x72: {  	_ =	shalt  }
0x73: {  	_ =	shalt  }
0x74: {  	_ =	shalt  }
0x75: {  	_ =	shalt  }
0x76: {  	_ =	shalt  }
0x77: {  	_ =	shalt  }
0x78: {  	_ =	shalt  }
0x79: {  	_ =	shalt  }
0x7a: {  	_ =	shalt  }
0x7b: {  	_ =	shalt  }
0x7c: {  	_ =	shalt  }
0x7d: {  	_ =	shalt  }
0x7e: {  	_ =	shalt  }
0x7f: {  	_ =	shalt  }
0x80: {  	_ =	shalt  }
0x81: {  	_ =	shalt  }
0x82: {  	_ =	shalt  }
0x83: {  	_ =	shalt  }
0x84: {  	_ =	shalt  }
0x85: {  	_ =	shalt  }
0x86: {  	_ =	shalt  }
0x87: {  	_ =	shalt  }
.Lfunc_end0:
.L_simem_size_0:
called_computation.1_lowered:
.L_overlay_start_0:
0x88: {  	s2 =	sld [smem:$0x3FD9]  }
0x89: {  	s3 =	sld [smem:$0x3FFE];
	_ =	sdelay $0x1  }
0x8a: {  	s1 =	srdreg.scid  }
0x8b: {  	s0 =	sand.u32 $0x1, s1  }
0x8c: {  	s16 =	sshll.u32 s0, $0xA;
	s2 =	sadd.s32 s3, s2  }
0x8d: {  	s2 =	sadd.s32 s2, s16  }
0x8e: {  	[smem:$0x3FB8] =	sst s2  }
0x8f: {  	_ = 	snop  }
0x90: {  	(tm) =	ssettm $0x1  }
0x91: {  	s17 =	sld [smem:$0x3FFB];
	_ =	sdelay $0x3  }
0x92: {  	_ =	strace s17  }
0x93: {  	s2 =	sld [smem:$0x3FFC];
	_ =	sdelay $0x3  }
0x94: {  	_ =	strace s2  }
0x95: {  	s2 =	sld [smem:$0x3FFD];
	_ =	sdelay $0x3  }
0x96: {  	_ =	strace s2  }
0x97: {  	_ =	strace $0x8FFFFFFF  }
0x98: {  	s18 =	sld [smem:$0x3FDB];
	_ =	sdelay $0x1  }
0x99: {  	s19 =	simm.s32 $_scs_section_size  }
0x9a: {  	s4 =	simm.s32 $_size__tile_overlayer_lowered;
	s5 =	simm.s32 $_tile_overlayer_lowered  }
0x9b: {  	s22 =	simm.s32 $0x1BFF;
	s21 =	sshll.u32 s5, $0x1;
	s2 =	sadd.s32 s19, s18  }
0x9c: {  	s6 =	simm.s32 $0x0;
	s20 =	sshll.u32 s4, $0x1;
	s4 =	sadd.s32 s21, s2  }
0x9d: {  	[timem:s6], [sflag:s22] =	dma.local [hbm:s4], s20  }
0x9e: {  	_ =	swait.ge [sflag:s22], s20  }
0x9f: {  	s3 =	ssub.s32 $0x0, s20;
	[sflag:s22] =	ssyncset.done $0x0  }
0xa0: {  	[sflag:s22] =	ssyncadd.s32 s3;
	_ =	sdelay $0x1  }
0xa1: {  	s23 =	simm.s32 $0x1B8B  }
0xa2: {  	_ =	swait.ge [sflag:s23], $0x1  }
0xa3: {  	[sflag:s23] =	ssyncset.done $0x0  }
0xa4: {  	s25 =	simm.s32 $0x1B8E;
	s24 =	sld [smem:$0x3FFE];
	[sflag:s23] =	ssyncadd.s32 $0xFFFFFFFF  }
0xa5: {  	s26 =	simm.s32 $execute0_lowered;
	[smem:$0x3FD2] =	sst s25  }
0xa6: {  	s4 =	sshll.u32 s26, $0x1;
	_ =	strace $0x80000049;
	[dreg:$0x1] =	wrdreg $0xFFFFFFFF  }
0xa7: {  	s28 =	simm.s32 $_size_execute0_lowered;
	s2 =	sadd.s32 s2, s4;
	[dreg:$0x0] =	wrdreg $0x0  }
0xa8: {  	s4 =	sshll.u32 s28, $0x1;
	[dreg:$0x2] =	wrdreg s2  }
0xa9: {  	[dreg:$0x3] =	wrdreg s4  }
0xaa: {  	[dreg:$0x4] =	wrdreg $0xC0  }
0xab: {  	_ =	task [dreg:s6], $0x5FFFF  }
0xac: {  	[dreg:$0x1] =	wrdreg $0xFFFFFFFF  }
0xad: {  	[dreg:$0x0] =	wrdreg $0x60  }
0xae: {  	[dreg:$0x2] =	wrdreg s24  }
0xaf: {  	[dreg:$0x3] =	wrdreg $0xC6200  }
0xb0: {  	[dreg:$0x4] =	wrdreg $0x9  }
0xb1: {  	_ =	task.clear_ibuf [dreg:s6], $0x5FFFF;
	_ =	strace $0x90000049  }
0xb2: {  	s29 =	simm.s32 $0x9;
	_ =	strace $0x8000004B  }
0xb3: {  	_ =	swait.ge [sflag:s29], $0x1  }
0xb4: {  	[sflag:s29] =	ssyncadd.s32 $0xFFFFFFFF  }
0xb5: {  	_ =	strace $0x9000004B  }
0xb6: {  	_ =	sfence  }
0xb7: {  	s30 =	sld [smem:$0x0];
	_ =	sdelay $0x2  }
0xb8: {  	s31 =	sshll.u32 s1, $0xD;
	s1 =	sshrl.u32 s1, $0x2  }
0xb9: {  	s3 =	sand.u32 $0x4000, s31;
	s1 =	sadd.s32 s1, s30  }
0xba: {  	s0 =	sor.u32 s3, s0;
	s1 =	sshll.u32 s1, $0x11  }
0xbb: {  	s0 =	sor.u32 s1, s0  }
0xbc: {  	s0 =	sadd.s32 $0x8F2B, s0  }
0xbd: {  	[sflag:s0] =	ssyncadd.remote.s32 $0x1  }
0xbe: {  	_ =	sfence.sel $0xFFFF  }
0xbf: {  	[dreg:$0x0] =	wrdreg $0xFFFFFFFF;
	(pc) =	sbr.abs _section_cstart, $3  }
0xc0: {  	[dreg:$0x1] =	wrdreg $0xFFFFFFFF  }
0xc1: {  	_ =	task.clear_ibuf [dreg:s6], $0x2FFFF;
	_ =	strace $0x9FFFFFFF  }
0xc2: {  	(tm) =	ssettm $0x7FFFFFFF  }
0xc3: {  	_ =	shalt  }
tec
execute0_lowered:
.L_overlay_start_1:
0x0: {  	(tag) =	ssettag $0x1  }
0x1: {  	s0 =	srdreg.scid;
	s1 =	rddreg [dreg:$0x0]  }
0x2: {  	s2 =	rddreg [dreg:$0x1];
	s9 =	stileid.u32;
	s3 =	simm.s32 $0x0  }
0x3: {  	s15 =	simm.s32 $0x9;
	s16 =	simm.s32 $0x2710;
	s17 =	simm.s32 $0x50  }
0x4: {  	s18 =	simm.s32 $0x4E20;
	s19 =	simm.s32 $0x6220;
	s28 =	simm.s32 $0x2  }
0x5: {  	s30 =	simm.s32 $0x5;
	s20 =	simm.s32 $0x6;
	s29 =	simm.s32 $0x4  }
0x6: {  	s31 =	simm.s32 $0x8;
	s0 =	sand.u32 $0x1, s0;
	s7 =	smul.u32 $0x27000, s9  }
0x7: {  	[smem:$0x7FF] =	sst s3;
	s23 =	smul.u32 $0x13800, s9;
	s11 =	sadd.s32 $0x99C00, s2  }
0x8: {  	p0 =	seq.s32 s9, $0xF;
	s4 =	sshll.u32 s0, $0x4;
	_ =	strace $0x8000004A  }
0x9: {  	s6 =	ssub.s32 $0x2, s0;
	s25 =	sshll.u32 s0, $0x6;
	s0 =	sshll.u32 s0, $0x3  }
0xa: {  	s4 =	sor.u32 s9, s4;
	s8 =	sshrl.u32 s6, $0x1;
	s21 =	sshrl.u32 s7, $0x2  }
0xb: {  	s4 =	smul.u32 $0x2710, s4;
	s8 =	ssub.s32 s6, s8;
	s6 =	sadd.s32 s21, s2  }
0xc: {  	s21 =	simm.s32 $0x7620;
	s24 =	sadd.s32 $0x2800, s6;
	s10 =	sadd.s32 $0x5000, s6  }
0xd: {  	s26 =	sadd.s32 $0x7800, s6;
	s14 =	smax.u32 s8, $0x1;
	[dreg:$0x5] =	wrdreg s24  }
0xe: {  	s5 =	sshrl.u32 s4, $0x3;
	s4 =	sadd.s32 $0x2C00, s1;
	[dreg:$0x6] =	wrdreg s10  }
0xf: {  	[dreg:$0x7] =	wrdreg s26;
	s26 =	simm.s32 $0x8A20;
	s5 =	sadd.s32 s5, s1  }
0x10: {  	s24 =	simm.s32 $0x0;
	s1 =	sadd.s32 $0x2A000, s1;
	s22 =	sadd.s32 $0x16600, s5  }
.Ltmp0:
0x11: {  	s5 =	sadd.s32 $0x20240, s5;
	[dreg:$0x3] =	wrdreg s22;
	(pc) =	sbr.rel .LBB2_1-.Ltmp0, $4  }
0x12: {  	s0 =	sadd.s32 s0, s1;
	[dreg:$0x4] =	wrdreg s5;
	s5 =	sor.u32 s25, s23  }
0x13: {  	s13 =	sadd.s32 $0x24900, s0;
	s0 =	sadd.s32 $0x92400, s2;
	s22 =	simm.s32 $0x9E20  }
0x14: {  	s23 =	simm.s32 $0x1;
	s5 =	sshrl.u32 s5, $0x3;
	s25 =	sshrl.u32 @p0 s0, $0x3  }
0x15: {  	v0 =	vimm.f32 $0.0e+00;
	s0 =	simm.s32 $0x3;
	s12 =	sadd.s32 s1, s5;
	s1 =	simm.s32 $0x7  }
.LBB2_6:
0x16: {  	_ =	swait.ge [sflag:s29], $0x1400  }
0x17: {  	[sflag:s29] =	ssyncset.done $0x0  }
0x18: {  	[sflag:s29] =	ssyncadd.s32 $0xFFFFEC00  }
0x19: {  	[spmem:s2] =	stream.indirect.scatter.add.f32 [tilespmem:s26], [sflag:$0x8], $0x40, s8, s17, $0xb8;
	[tilespmem:$0x16260] =	vst v63  }
0x1a: {  	_ =	swait.ge [sflag:s23], $0x1400  }
0x1b: {  	[sflag:s23] =	ssyncset.done $0x0  }
0x1c: {  	s5 =	simm.s32 $0x4DD0;
	[sflag:s23] =	ssyncadd.s32 $0xFFFFEC00  }
0x1d: {  	[spmem:s2] =	stream.indirect.scatter.add.f32 [tilespmem:s18], [sflag:$0x5], $0x40, s5, s17, $0xb8;
	[tilespmem:$0x16260] =	vst v63  }
0x1e: {  	_ =	swait.ge [sflag:s30], $0x1400  }
0x1f: {  	[sflag:s30] =	ssyncset.done $0x0  }
0x20: {  	[sflag:s30] =	ssyncadd.s32 $0xFFFFEC00  }
0x21: {  	_ =	swait.ge [sflag:s20], $0x1400  }
0x22: {  	[sflag:s20] =	ssyncset.done $0x0  }
0x23: {  	[sflag:s20] =	ssyncadd.s32 $0xFFFFEC00  }
0x24: {  	_ =	swait.ge [sflag:s1], $0x1400  }
0x25: {  	[sflag:s1] =	ssyncset.done $0x0  }
0x26: {  	[sflag:s1] =	ssyncadd.s32 $0xFFFFEC00  }
0x27: {  	_ =	swait.ge [sflag:s31], $0x1400  }
0x28: {  	s7 =	simm.s32 @p0 $0x10;
	[sflag:s31] =	ssyncset.done $0x0  }
0x29: {  	s9 =	simm.s32 @p0 $0x1FC9;
	s24 =	sadd.s32 $0x1, s24;
	[sflag:s31] =	ssyncadd.s32 $0xFFFFEC00  }
0x2a: {  	s8 =	simm.s32 @p0 $0x8;
	s5 =	simm.s32 @p0 $0x1;
	[bflag:$0x0] =	sbarrier.arrive $0xFFFF  }
0x2b: {  	[hbm:s13@s7], [sflag:s9] =	dma.strided @p0 [spmem:s25@s8], $0x1400, s5, $0x8   }
0x2c: {  	s10 =	simm.s32 @!p0 $0x8;
	p1 =	sne.s32 s24, s14;
	s5 =	simm.s32 @p0 $0x9  }
0x2d: {  	s7 =	stileid.u32;
	s8 =	simm.s32 @!p0 $0x1;
	_ =	swait.ge @p0 [sflag:s5], $0x1400  }
0x2e: {  	s9 =	simm.s32 @!p0 $0x10;
	s7 =	sshll.u32 @!p0 s7, $0x6;
	[sflag:s5] =	ssyncset.done @p0 $0x0  }
0x2f: {  	[sflag:s5] =	ssyncadd.s32 @p0 $0xFFFFEC00;
	s5 =	sor.u32 @!p0 $0x1C09, s7;
	s7 =	sshrl.u32 @!p0 s6, $0x3  }
0x30: {  	[hbm:s12@s9], [sflag:s5] =	dma.strided @!p0 [spmem:s7@s10], $0x1380, s8, $0x8   }
.Ltmp1:
0x31: {  	_ = 	snop;
	(pc) =	sbr.rel @!p1 .LBB2_7-.Ltmp1, $4  }
0x32: {  	s5 =	simm.s32 @!p0 $0x9  }
0x33: {  	_ =	swait.ge @!p0 [sflag:s5], $0x1380  }
0x34: {  	[sflag:s5] =	ssyncset.done @!p0 $0x0  }
0x35: {  	[sflag:s5] =	ssyncadd.s32 @!p0 $0xFFFFEC80  }
.LBB2_1:
0x36: {  	s5 =	rddreg [dreg:$0x3]  }
0x37: {  	[tilespmem:s3], [sflag:$0x9] =	stream.linear.gather [hbm4b:s5+s3], $0x2710, $0x38;
	[tilespmem:$0x16260] =	vst v63  }
0x38: {  	_ =	swait.ge [sflag:s15], $0x2710  }
0x39: {  	[sflag:s15] =	ssyncset.done $0x0  }
0x3a: {  	s9 =	rddreg [dreg:$0x4];
	[sflag:s15] =	ssyncadd.s32 $0xFFFFD8F0  }
0x3b: {  	[tilespmem:s16], [sflag:$0x9] =	stream.linear.gather [hbm4b:s9+s3], $0x2710, $0x38;
	[tilespmem:$0x16260] =	vst v63  }
0x3c: {  	_ =	swait.ge [sflag:s15], $0x2710  }
0x3d: {  	[sflag:s15] =	ssyncset.done $0x0  }
0x3e: {  	[sflag:s15] =	ssyncadd.s32 $0xFFFFD8F0  }
0x3f: {  	[tilespmem:s18], [sflag:$0x1] =	stream.indirect.gather [hbm4b:s4+s17], $0x40, s3, s17, $0xb8;
	[tilespmem:$0x16260] =	vst v63  }
0x40: {  	_ = 	snop  }
0x41: {  	[tilespmem:s19], [sflag:$0x2] =	stream.indirect.gather [hbm4b:s4+s17], $0x40, s17, s17, $0xb8;
	[tilespmem:$0x16260] =	vst v63  }
0x42: {  	s10 =	simm.s32 $0xA0;
	s7 =	simm.s32 $0x100;
	s5 =	simm.s32 $0x0  }
0x43: {  	[tilespmem:s21], [sflag:$0x3] =	stream.indirect.gather [hbm4b:s4+s17], $0x40, s10, s17, $0xb8;
	[tilespmem:$0x16260] =	vst v63  }
.LBB2_2:
0x44: {  	p1 =	sne.s32 s7, $0x9F00;
	[tilespmem:s5+$0x9E50] =	vst v0;
	s8 =	smov.u32 s7;
	s7 =	sadd.s32 $0x100, s7  }
.Ltmp2:
0x45: {  	[tilespmem:s5+$0x9E40] =	vst v0;
	(pc) =	sbr.rel @p1 .LBB2_2-.Ltmp2, $3  }
0x46: {  	[tilespmem:s5+$0x9E20] =	vst v0  }
0x47: {  	[tilespmem:s5+$0x9E30] =	vst v0;
	_ =	sdelay $0x1  }
0x48: {  	s5 =	sshra.s32 s8, $0x2  }
0x49: {  	[tilespmem:s5+$0x9E50] =	vst v0  }
0x4a: {  	[tilespmem:s5+$0x9E40] =	vst v0  }
0x4b: {  	[tilespmem:s5+$0x9E20] =	vst v0  }
0x4c: {  	[tilespmem:s5+$0x9E30] =	vst v0  }
0x4d: {  	[spmem:s6] =	stream.linear.scatter [tilespmem:s22], [sflag:$0x9], $0x2800, $0x38;
	[tilespmem:$0x16260] =	vst v63  }
0x4e: {  	_ =	swait.ge [sflag:s15], $0x2800  }
0x4f: {  	[sflag:s15] =	ssyncset.done $0x0  }
0x50: {  	s10 =	rddreg [dreg:$0x5];
	[sflag:s15] =	ssyncadd.s32 $0xFFFFD800  }
0x51: {  	[spmem:s10] =	stream.linear.scatter [tilespmem:s22], [sflag:$0x9], $0x2800, $0x38;
	[tilespmem:$0x16260] =	vst v63  }
0x52: {  	_ =	swait.ge [sflag:s15], $0x2800  }
0x53: {  	[sflag:s15] =	ssyncset.done $0x0  }
0x54: {  	s7 =	rddreg [dreg:$0x6];
	[sflag:s15] =	ssyncadd.s32 $0xFFFFD800  }
0x55: {  	[spmem:s7] =	stream.linear.scatter [tilespmem:s22], [sflag:$0x9], $0x2800, $0x38;
	[tilespmem:$0x16260] =	vst v63  }
0x56: {  	_ =	swait.ge [sflag:s15], $0x2800  }
0x57: {  	[sflag:s15] =	ssyncset.done $0x0  }
0x58: {  	s5 =	simm.s32 @p0 $0x9E20;
	[sflag:s15] =	ssyncadd.s32 $0xFFFFD800  }
0x59: {  	[spmem:s11] =	stream.linear.scatter @p0 [tilespmem:s5], [sflag:$0x9], $0x2800, $0x38;
	[tilespmem:$0x16260] =	vst v63  }
0x5a: {  	s5 =	simm.s32 @p0 $0x9  }
0x5b: {  	_ =	swait.ge @p0 [sflag:s5], $0x2800  }
0x5c: {  	[sflag:s5] =	ssyncset.done @p0 $0x0  }
0x5d: {  	s7 =	rddreg [dreg:$0x7];
	[sflag:s5] =	ssyncadd.s32 @p0 $0xFFFFD800;
	s5 =	simm.s32 @!p0 $0x9E20  }
0x5e: {  	[spmem:s7] =	stream.linear.scatter @!p0 [tilespmem:s5], [sflag:$0x9], $0x2400, $0x38;
	[tilespmem:$0x16260] =	vst v63  }
0x5f: {  	s5 =	simm.s32 @!p0 $0x9  }
0x60: {  	_ =	swait.ge @!p0 [sflag:s5], $0x2400  }
0x61: {  	[sflag:s5] =	ssyncset.done @!p0 $0x0  }
0x62: {  	[sflag:s5] =	ssyncadd.s32 @!p0 $0xFFFFDC00  }
0x63: {  	[bflag:$0x0] =	sbarrier.arrive $0xFFFF  }
0x64: {  	_ =	swait.ge [sflag:s23], $0x1400  }
0x65: {  	[sflag:s23] =	ssyncset.done $0x0  }
0x66: {  	[sflag:s23] =	ssyncadd.s32 $0xFFFFEC00  }
0x67: {  	[spmem:s2] =	stream.indirect.scatter.add.f32 [tilespmem:s18], [sflag:$0x5], $0x40, s16, s17, $0xb8;
	[tilespmem:$0x16260] =	vst v63  }
0x68: {  	s8 =	simm.s32 $0xF0  }
0x69: {  	[tilespmem:s26], [sflag:$0x4] =	stream.indirect.gather [hbm4b:s4+s17], $0x40, s8, s17, $0xb8;
	[tilespmem:$0x16260] =	vst v63  }
0x6a: {  	_ =	swait.ge [sflag:s28], $0x1400  }
0x6b: {  	[sflag:s28] =	ssyncset.done $0x0  }
0x6c: {  	s9 =	simm.s32 $0x2760;
	[sflag:s28] =	ssyncadd.s32 $0xFFFFEC00  }
0x6d: {  	[spmem:s2] =	stream.indirect.scatter.add.f32 [tilespmem:s19], [sflag:$0x6], $0x40, s9, s17, $0xb8;
	[tilespmem:$0x16260] =	vst v63  }
0x6e: {  	_ =	swait.ge [sflag:s30], $0x1400  }
0x6f: {  	[sflag:s30] =	ssyncset.done $0x0  }
0x70: {  	s10 =	simm.s32 $0x140;
	[sflag:s30] =	ssyncadd.s32 $0xFFFFEC00  }
0x71: {  	[tilespmem:s18], [sflag:$0x1] =	stream.indirect.gather [hbm4b:s4+s17], $0x40, s10, s17, $0xb8;
	[tilespmem:$0x16260] =	vst v63  }
0x72: {  	_ =	swait.ge [sflag:s0], $0x1400  }
0x73: {  	[sflag:s0] =	ssyncset.done $0x0  }
0x74: {  	s7 =	simm.s32 $0x27B0;
	[sflag:s0] =	ssyncadd.s32 $0xFFFFEC00  }
0x75: {  	[spmem:s2] =	stream.indirect.scatter.add.f32 [tilespmem:s21], [sflag:$0x7], $0x40, s7, s17, $0xb8;
	[tilespmem:$0x16260] =	vst v63  }
0x76: {  	_ =	swait.ge [sflag:s20], $0x1400  }
0x77: {  	[sflag:s20] =	ssyncset.done $0x0  }
0x78: {  	s8 =	simm.s32 $0x190;
	[sflag:s20] =	ssyncadd.s32 $0xFFFFEC00  }
0x79: {  	[tilespmem:s19], [sflag:$0x2] =	stream.indirect.gather [hbm4b:s4+s17], $0x40, s8, s17, $0xb8;
	[tilespmem:$0x16260] =	vst v63  }
0x7a: {  	_ =	swait.ge [sflag:s29], $0x1400  }
0x7b: {  	[sflag:s29] =	ssyncset.done $0x0  }
0x7c: {  	s9 =	simm.s32 $0x2800;
	[sflag:s29] =	ssyncadd.s32 $0xFFFFEC00  }
0x7d: {  	[spmem:s2] =	stream.indirect.scatter.add.f32 [tilespmem:s26], [sflag:$0x8], $0x40, s9, s17, $0xb8;
	[tilespmem:$0x16260] =	vst v63  }
0x7e: {  	_ =	swait.ge [sflag:s1], $0x1400  }
0x7f: {  	[sflag:s1] =	ssyncset.done $0x0  }
0x80: {  	s5 =	simm.s32 $0x0;
	s10 =	simm.s32 $0x1E0;
	[sflag:s1] =	ssyncadd.s32 $0xFFFFEC00  }
0x81: {  	[tilespmem:s21], [sflag:$0x3] =	stream.indirect.gather [hbm4b:s4+s17], $0x40, s10, s17, $0xb8;
	[tilespmem:$0x16260] =	vst v63  }
.LBB2_4:
0x82: {  	_ =	swait.ge [sflag:s23], $0x1400  }
0x83: {  	s7 =	sshra.s32 s5, $0x2;
	[sflag:s23] =	ssyncset.done $0x0  }
0x84: {  	s8 =	sadd.s32 $0x2850, s7;
	[sflag:s23] =	ssyncadd.s32 $0xFFFFEC00  }
0x85: {  	[spmem:s2] =	stream.indirect.scatter.add.f32 [tilespmem:s18], [sflag:$0x5], $0x40, s8, s17, $0xb8;
	[tilespmem:$0x16260] =	vst v63  }
0x86: {  	_ =	swait.ge [sflag:s31], $0x1400  }
0x87: {  	[sflag:s31] =	ssyncset.done $0x0  }
0x88: {  	s9 =	sadd.s32 $0x230, s7;
	[sflag:s31] =	ssyncadd.s32 $0xFFFFEC00  }
0x89: {  	[tilespmem:s26], [sflag:$0x4] =	stream.indirect.gather [hbm4b:s4+s17], $0x40, s9, s17, $0xb8;
	[tilespmem:$0x16260] =	vst v63  }
0x8a: {  	_ =	swait.ge [sflag:s28], $0x1400  }
0x8b: {  	[sflag:s28] =	ssyncset.done $0x0  }
0x8c: {  	s10 =	sadd.s32 $0x28A0, s7;
	[sflag:s28] =	ssyncadd.s32 $0xFFFFEC00  }
0x8d: {  	[spmem:s2] =	stream.indirect.scatter.add.f32 [tilespmem:s19], [sflag:$0x6], $0x40, s10, s17, $0xb8;
	[tilespmem:$0x16260] =	vst v63  }
0x8e: {  	_ =	swait.ge [sflag:s30], $0x1400  }
0x8f: {  	[sflag:s30] =	ssyncset.done $0x0  }
0x90: {  	p1 =	seq.s32 s5, $0x9100;
	s9 =	sadd.s32 $0x280, s7;
	[sflag:s30] =	ssyncadd.s32 $0xFFFFEC00  }
0x91: {  	[tilespmem:s18], [sflag:$0x1] =	stream.indirect.gather [hbm4b:s4+s17], $0x40, s9, s17, $0xb8;
	[tilespmem:$0x16260] =	vst v63  }
.Ltmp3:
0x92: {  	_ = 	snop;
	(pc) =	sbr.rel @p1 .LBB2_6-.Ltmp3, $4  }
0x93: {  	_ =	swait.ge [sflag:s0], $0x1400  }
0x94: {  	[sflag:s0] =	ssyncset.done $0x0  }
0x95: {  	s8 =	sadd.s32 $0x2940, s7;
	s10 =	sadd.s32 $0x28F0, s7;
	[sflag:s0] =	ssyncadd.s32 $0xFFFFEC00  }
0x96: {  	[spmem:s2] =	stream.indirect.scatter.add.f32 [tilespmem:s21], [sflag:$0x7], $0x40, s10, s17, $0xb8;
	[tilespmem:$0x16260] =	vst v63  }
0x97: {  	_ =	swait.ge [sflag:s20], $0x1400  }
0x98: {  	[sflag:s20] =	ssyncset.done $0x0  }
0x99: {  	s9 =	sadd.s32 $0x2D0, s7;
	[sflag:s20] =	ssyncadd.s32 $0xFFFFEC00  }
0x9a: {  	[tilespmem:s19], [sflag:$0x2] =	stream.indirect.gather [hbm4b:s4+s17], $0x40, s9, s17, $0xb8;
	[tilespmem:$0x16260] =	vst v63  }
0x9b: {  	_ =	swait.ge [sflag:s29], $0x1400  }
0x9c: {  	[sflag:s29] =	ssyncset.done $0x0  }
0x9d: {  	[sflag:s29] =	ssyncadd.s32 $0xFFFFEC00  }
0x9e: {  	[spmem:s2] =	stream.indirect.scatter.add.f32 [tilespmem:s26], [sflag:$0x8], $0x40, s8, s17, $0xb8;
	[tilespmem:$0x16260] =	vst v63  }
.Ltmp4:
0x9f: {  	_ = 	snop;
	(pc) =	sbr.rel .LBB2_4-.Ltmp4, $4  }
0xa0: {  	_ =	swait.ge [sflag:s1], $0x1400  }
0xa1: {  	[sflag:s1] =	ssyncset.done $0x0  }
0xa2: {  	s10 =	sadd.s32 $0x320, s7;
	s5 =	sadd.s32 $0x500, s5;
	[sflag:s1] =	ssyncadd.s32 $0xFFFFEC00  }
0xa3: {  	[tilespmem:s21], [sflag:$0x3] =	stream.indirect.gather [hbm4b:s4+s17], $0x40, s10, s17, $0xb8;
	[tilespmem:$0x16260] =	vst v63  }
.LBB2_7:
0xa4: {  	_ =	sfence.sel $0x180000  }
0xa5: {  	[bflag:$0x0] =	sbarrier.arrive $0xFFFF  }
0xa6: {  	_ =	strace $0x9000004A  }
0xa7: {  	s0 =	stileid.u32;
	[bflag:$0x2] =	sbarrier.arrive $0xFFFF  }
0xa8: {  	p0 =	sne.s32 s0, $0x0;
	s0 =	rddreg [dreg:$0x2]  }
0xa9: {  	s0 =	sadd.s32 @!p0 $0x100000, s0  }
0xaa: {  	[sflag:s0] =	ssyncadd.tile.s32 @!p0 $0x1;
	_ =	shalt  }
.Lfunc_end2:
_tile_overlayer_lowered:
.L_overlay_start_2:
0xab: {  	(tag) =	ssettag $0x2  }
0xac: {  	s0 =	rddreg [dreg:$0x0];
	s2 =	stileid.u32  }
0xad: {  	s1 =	rddreg [dreg:$0x1];
	p0 =	sne.s32 s2, $0x0  }
0xae: {  	s3 =	rddreg [dreg:$0x2];
	[bflag:$0x3] =	sbarrier.arrive $0xFFFF;
	s2 =	simm.s32 @!p0 $0x1C09  }
0xaf: {  	[timem:s3], [sflag:s2] =	dma.local @!p0 [hbm:s0], s1  }
0xb0: {  	s0 =	simm.s32 @!p0 $0x9  }
0xb1: {  	_ =	swait.ge @!p0 [sflag:s0], s1  }
0xb2: {  	s1 =	ssub.s32 @!p0 $0x0, s1;
	[sflag:s0] =	ssyncset.done @!p0 $0x0  }
0xb3: {  	[sflag:s0] =	ssyncadd.s32 @!p0 s1  }
0xb4: {  	[bflag:$0x3] =	sbarrier.arrive $0xFFFF  }
0xb5: {  	_ =	shalt  }

// kernel: kernel.7.cloned.1.call-start
scs
__scs_entry_jumppad:
0x0: {  	(pc) =	sbr.rel $0x88, $3  }
0x1: {  	(tag) =	ssettag $0x0;
	lr =	simm.s32 $0x1  }
0x2: {  	[smem:$0x3F91] =	sst lr;
	_ =	strace $0xD0000000  }
0x3: {  	_ = 	snop  }
0x4: {  	_ = 	snop  }
0x5: {  	_ = 	snop  }
0x6: {  	_ = 	snop  }
0x7: {  	_ = 	snop  }
__scs_overlays_trampoline_lowered:
0x8: {  	[smem:$0x3FA0] =	sst s0  }
0x9: {  	[smem:$0x3FA1] =	sst s1  }
0xa: {  	[smem:$0x3FA2] =	sst s2  }
0xb: {  	[smem:$0x3FA3] =	sst s3  }
0xc: {  	[smem:$0x3FA4] =	sst s4  }
0xd: {  	[smem:$0x3FA5] =	sst s5  }
0xe: {  	[smem:$0x3FA6] =	sst s6  }
0xf: {  	[smem:$0x3FA7] =	sst s7  }
0x10: {  	[smem:$0x3FA8] =	sst s8  }
0x11: {  	[smem:$0x3FA9] =	sst s9;
	s0 =	simm.s32 @!p0 $0x0  }
0x12: {  	s1 =	sld [smem:$0x3F8F];
	s0 =	simm.s32 @p0 $0x1  }
0x13: {  	[smem:$0x3FAA] =	sst s0;
	s0 =	simm.s32 @!p1 $0x0  }
0x14: {  	s2 =	sld [smem:$0x3F8E];
	s0 =	simm.s32 @p1 $0x1  }
0x15: {  	[smem:$0x3FAB] =	sst s0;
	s0 =	simm.s32 @!p2 $0x0  }
0x16: {  	s3 =	sld [smem:$0x3FDB];
	s0 =	simm.s32 @p2 $0x1  }
0x17: {  	s4 =	simm.s32 $0x1BF5;
	[smem:$0x3FAD] =	sst s0  }
0x18: {  	s0 =	sld [smem:$0x3F90];
	_ =	swait.ge [sflag:s4], $0x0  }
0x19: {  	s7 =	sld [smem:$0x3F91]  }
0x1a: {  	s8 =	sadd.s32 $0xFFFFE003, lr  }
0x1b: {  	s9 =	sadd.s32 $0xFFFFFEF7, lr;
	s5 =	simm.s32 $0xFFFFFFFF;
	p2 =	slt.u32 s8, $0xFFFFF086  }
0x1c: {  	p1 =	slt.u32 s9, $0xF7A;
	s5 =	simm.s32 @!p2 $0x0  }
0x1d: {  	s5 =	simm.s32 @p1 $0x1;
	p0 =	seq.s32 s7, s2  }
0x1e: {  	s7 =	smul.u32 @!p0 $0xF7A, s2;
	p2 =	seq.s32 @!p0 s5, $0x0  }
0x1f: {  	s9 =	smul.u32 $0xF7A, s1;
	s8 =	simm.s32 @!p0 $0x1BF5;
	p2 =	por !p2, p0  }
0x20: {  	[sflag:s8] =	ssyncset.s32 @!p0 $0xFFFFF086;
	s6 =	sadd.s32 @!p0 s3, s7;
	s7 =	simm.s32 @!p0 $0x108  }
0x21: {  	s3 =	sadd.s32 s3, s9;
	s6 =	sadd.s32 @!p0 $0x88, s6;
	s7 =	simm.s32 @p2 $0x1082  }
0x22: {  	[simem:s7], [sflag:s8] =	dma.local @!p0 [hbm:s6], $0xF7A  }
0x23: {  	s9 =	sor.u32 $0xD0000000, s2;
	s6 =	simm.s32 $0x108;
	_ =	swait.ge @!p0 [sflag:s8], $0x0  }
0x24: {  	s3 =	sadd.s32 $0x88, s3;
	s6 =	simm.s32 @!p1 $0x1082;
	[sflag:s4] =	ssyncset.s32 $0xFFFFF086  }
0x25: {  	[simem:s6], [sflag:s4] =	dma.local [hbm:s3], $0xF7A  }
0x26: {  	[smem:$0x3F91] =	sst s1;
	(tag) =	ssettag s2;
	_ =	strace s9  }
0x27: {  	s1 =	sld [smem:$0x3FA1]  }
0x28: {  	s2 =	sld [smem:$0x3FA2]  }
0x29: {  	s4 =	sld [smem:$0x3FA4]  }
0x2a: {  	p0 =	seq.s32 s5, $0x0;
	s5 =	sld [smem:$0x3FA5]  }
0x2b: {  	s6 =	sld [smem:$0x3FA6]  }
0x2c: {  	s7 =	sld [smem:$0x3FA7]  }
0x2d: {  	s3 =	simm.s32 $0x108;
	s8 =	sld [smem:$0x3FA8]  }
0x2e: {  	s3 =	simm.s32 @!p0 $0x1082;
	s9 =	sld [smem:$0x3FA9]  }
0x2f: {  	lr =	sadd.s32 s0, s3;
	s0 =	sld [smem:$0x3FA0]  }
0x30: {  	s3 =	sld [smem:$0x3FA3]  }
0x31: {  	[smem:$0x3FAC] =	sst s10  }
0x32: {  	s10 =	sld [smem:$0x3FAA];
	_ =	sdelay $0x3  }
0x33: {  	p0 =	seq.s32 s10, $0x1;
	s10 =	sld [smem:$0x3FAC];
	_ =	sdelay $0x3  }
0x34: {  	[smem:$0x3FAC] =	sst s10  }
0x35: {  	s10 =	sld [smem:$0x3FAB];
	_ =	sdelay $0x3  }
0x36: {  	p1 =	seq.s32 s10, $0x1;
	s10 =	sld [smem:$0x3FAC];
	_ =	sdelay $0x3  }
0x37: {  	[smem:$0x3FAC] =	sst s10  }
0x38: {  	s10 =	sld [smem:$0x3FAD]  }
0x39: {  	_ = 	snop;
	(pc) =	sbr.ind lr, $3  }
0x3a: {  	_ = 	snop  }
0x3b: {  	_ = 	snop  }
0x3c: {  	p2 =	seq.s32 s10, $0x1;
	s10 =	sld [smem:$0x3FAC]  }
0x3d: {  	_ =	shalt  }
0x3e: {  	_ =	shalt  }
0x3f: {  	_ =	shalt  }
0x40: {  	_ =	shalt  }
0x41: {  	_ =	shalt  }
0x42: {  	_ =	shalt  }
0x43: {  	_ =	shalt  }
0x44: {  	_ =	shalt  }
0x45: {  	_ =	shalt  }
0x46: {  	_ =	shalt  }
0x47: {  	_ =	shalt  }
0x48: {  	_ =	shalt  }
0x49: {  	_ =	shalt  }
0x4a: {  	_ =	shalt  }
0x4b: {  	_ =	shalt  }
0x4c: {  	_ =	shalt  }
0x4d: {  	_ =	shalt  }
0x4e: {  	_ =	shalt  }
0x4f: {  	_ =	shalt  }
0x50: {  	_ =	shalt  }
0x51: {  	_ =	shalt  }
0x52: {  	_ =	shalt  }
0x53: {  	_ =	shalt  }
0x54: {  	_ =	shalt  }
0x55: {  	_ =	shalt  }
0x56: {  	_ =	shalt  }
0x57: {  	_ =	shalt  }
0x58: {  	_ =	shalt  }
0x59: {  	_ =	shalt  }
0x5a: {  	_ =	shalt  }
0x5b: {  	_ =	shalt  }
0x5c: {  	_ =	shalt  }
0x5d: {  	_ =	shalt  }
0x5e: {  	_ =	shalt  }
0x5f: {  	_ =	shalt  }
0x60: {  	_ =	shalt  }
0x61: {  	_ =	shalt  }
0x62: {  	_ =	shalt  }
0x63: {  	_ =	shalt  }
0x64: {  	_ =	shalt  }
0x65: {  	_ =	shalt  }
0x66: {  	_ =	shalt  }
0x67: {  	_ =	shalt  }
0x68: {  	_ =	shalt  }
0x69: {  	_ =	shalt  }
0x6a: {  	_ =	shalt  }
0x6b: {  	_ =	shalt  }
0x6c: {  	_ =	shalt  }
0x6d: {  	_ =	shalt  }
0x6e: {  	_ =	shalt  }
0x6f: {  	_ =	shalt  }
0x70: {  	_ =	shalt  }
0x71: {  	_ =	shalt  }
0x72: {  	_ =	shalt  }
0x73: {  	_ =	shalt  }
0x74: {  	_ =	shalt  }
0x75: {  	_ =	shalt  }
0x76: {  	_ =	shalt  }
0x77: {  	_ =	shalt  }
0x78: {  	_ =	shalt  }
0x79: {  	_ =	shalt  }
0x7a: {  	_ =	shalt  }
0x7b: {  	_ =	shalt  }
0x7c: {  	_ =	shalt  }
0x7d: {  	_ =	shalt  }
0x7e: {  	_ =	shalt  }
0x7f: {  	_ =	shalt  }
0x80: {  	_ =	shalt  }
0x81: {  	_ =	shalt  }
0x82: {  	_ =	shalt  }
0x83: {  	_ =	shalt  }
0x84: {  	_ =	shalt  }
0x85: {  	_ =	shalt  }
0x86: {  	_ =	shalt  }
0x87: {  	_ =	shalt  }
.Lfunc_end0:
.L_simem_size_0:
called_computation_lowered:
.L_overlay_start_0:
0x88: {  	s2 =	sld [smem:$0x3FD9]  }
0x89: {  	s3 =	sld [smem:$0x3FFE];
	_ =	sdelay $0x1  }
0x8a: {  	s1 =	srdreg.scid  }
0x8b: {  	s0 =	sand.u32 $0x1, s1  }
0x8c: {  	s16 =	sshll.u32 s0, $0xA;
	s2 =	sadd.s32 s3, s2  }
0x8d: {  	s2 =	sadd.s32 s2, s16  }
0x8e: {  	[smem:$0x3FB8] =	sst s2  }
0x8f: {  	_ = 	snop  }
0x90: {  	(tm) =	ssettm $0x1  }
0x91: {  	s17 =	sld [smem:$0x3FFB];
	_ =	sdelay $0x3  }
0x92: {  	_ =	strace s17  }
0x93: {  	s2 =	sld [smem:$0x3FFC];
	_ =	sdelay $0x3  }
0x94: {  	_ =	strace s2  }
0x95: {  	s2 =	sld [smem:$0x3FFD];
	_ =	sdelay $0x3  }
0x96: {  	_ =	strace s2  }
0x97: {  	_ =	strace $0x8FFFFFFF  }
0x98: {  	s18 =	sld [smem:$0x3FDB];
	_ =	sdelay $0x1  }
0x99: {  	s19 =	simm.s32 $_scs_section_size  }
0x9a: {  	s4 =	simm.s32 $_size__tile_overlayer_lowered;
	s5 =	simm.s32 $_tile_overlayer_lowered  }
0x9b: {  	s22 =	simm.s32 $0x1BFF;
	s21 =	sshll.u32 s5, $0x1;
	s2 =	sadd.s32 s19, s18  }
0x9c: {  	s6 =	simm.s32 $0x0;
	s20 =	sshll.u32 s4, $0x1;
	s4 =	sadd.s32 s21, s2  }
0x9d: {  	[timem:s6], [sflag:s22] =	dma.local [hbm:s4], s20  }
0x9e: {  	_ =	swait.ge [sflag:s22], s20  }
0x9f: {  	s3 =	ssub.s32 $0x0, s20;
	[sflag:s22] =	ssyncset.done $0x0  }
0xa0: {  	[sflag:s22] =	ssyncadd.s32 s3;
	_ =	sdelay $0x1  }
0xa1: {  	s23 =	simm.s32 $0x1B8B  }
0xa2: {  	_ =	swait.ge [sflag:s23], $0x1  }
0xa3: {  	[sflag:s23] =	ssyncset.done $0x0  }
0xa4: {  	s25 =	simm.s32 $0x1B8E;
	s24 =	sld [smem:$0x3FFE];
	[sflag:s23] =	ssyncadd.s32 $0xFFFFFFFF  }
0xa5: {  	s26 =	simm.s32 $execute0_lowered;
	[smem:$0x3FD2] =	sst s25  }
0xa6: {  	s4 =	sshll.u32 s26, $0x1;
	_ =	strace $0x80000046;
	[dreg:$0x1] =	wrdreg $0xFFFFFFFF  }
0xa7: {  	s28 =	simm.s32 $_size_execute0_lowered;
	s2 =	sadd.s32 s2, s4;
	[dreg:$0x0] =	wrdreg $0x0  }
0xa8: {  	s4 =	sshll.u32 s28, $0x1;
	[dreg:$0x2] =	wrdreg s2  }
0xa9: {  	[dreg:$0x3] =	wrdreg s4  }
0xaa: {  	[dreg:$0x4] =	wrdreg $0xC0  }
0xab: {  	_ =	task [dreg:s6], $0x5FFFF  }
0xac: {  	[dreg:$0x1] =	wrdreg $0xFFFFFFFF  }
0xad: {  	[dreg:$0x0] =	wrdreg $0x60  }
0xae: {  	[dreg:$0x2] =	wrdreg s24  }
0xaf: {  	[dreg:$0x3] =	wrdreg $0xC6200  }
0xb0: {  	[dreg:$0x4] =	wrdreg $0x9  }
0xb1: {  	_ =	task.clear_ibuf [dreg:s6], $0x5FFFF;
	_ =	strace $0x90000046  }
0xb2: {  	s29 =	simm.s32 $0x9;
	_ =	strace $0x80000048  }
0xb3: {  	_ =	swait.ge [sflag:s29], $0x1  }
0xb4: {  	[sflag:s29] =	ssyncadd.s32 $0xFFFFFFFF  }
0xb5: {  	_ =	strace $0x90000048  }
0xb6: {  	_ =	sfence  }
0xb7: {  	s30 =	sld [smem:$0x0];
	_ =	sdelay $0x2  }
0xb8: {  	s31 =	sshll.u32 s1, $0xD;
	s1 =	sshrl.u32 s1, $0x2  }
0xb9: {  	s3 =	sand.u32 $0x4000, s31;
	s1 =	sadd.s32 s1, s30  }
0xba: {  	s0 =	sor.u32 s3, s0;
	s1 =	sshll.u32 s1, $0x11  }
0xbb: {  	s0 =	sor.u32 s1, s0  }
0xbc: {  	s0 =	sadd.s32 $0x8F2B, s0  }
0xbd: {  	[sflag:s0] =	ssyncadd.remote.s32 $0x1  }
0xbe: {  	_ =	sfence.sel $0xFFFF  }
0xbf: {  	[dreg:$0x0] =	wrdreg $0xFFFFFFFF;
	(pc) =	sbr.abs _section_cstart, $3  }
0xc0: {  	[dreg:$0x1] =	wrdreg $0xFFFFFFFF  }
0xc1: {  	_ =	task.clear_ibuf [dreg:s6], $0x2FFFF;
	_ =	strace $0x9FFFFFFF  }
0xc2: {  	(tm) =	ssettm $0x7FFFFFFF  }
0xc3: {  	_ =	shalt  }
tec
execute0_lowered:
.L_overlay_start_1:
0x0: {  	(tag) =	ssettag $0x1  }
0x1: {  	s0 =	srdreg.scid;
	s1 =	rddreg [dreg:$0x0]  }
0x2: {  	s2 =	rddreg [dreg:$0x1];
	s9 =	stileid.u32;
	s3 =	simm.s32 $0x0  }
0x3: {  	s15 =	simm.s32 $0x9;
	s16 =	simm.s32 $0x2710;
	s17 =	simm.s32 $0x50  }
0x4: {  	s18 =	simm.s32 $0x4E20;
	s19 =	simm.s32 $0x6220;
	s28 =	simm.s32 $0x2  }
0x5: {  	s30 =	simm.s32 $0x5;
	s20 =	simm.s32 $0x6;
	s29 =	simm.s32 $0x4  }
0x6: {  	s31 =	simm.s32 $0x8;
	s0 =	sand.u32 $0x1, s0;
	s7 =	smul.u32 $0x27000, s9  }
0x7: {  	[smem:$0x7FF] =	sst s3;
	s23 =	smul.u32 $0x13800, s9;
	s11 =	sadd.s32 $0x99C00, s2  }
0x8: {  	p0 =	seq.s32 s9, $0xF;
	s4 =	sshll.u32 s0, $0x4;
	_ =	strace $0x80000047  }
0x9: {  	s6 =	ssub.s32 $0x2, s0;
	s25 =	sshll.u32 s0, $0x6;
	s0 =	sshll.u32 s0, $0x3  }
0xa: {  	s4 =	sor.u32 s9, s4;
	s8 =	sshrl.u32 s6, $0x1;
	s21 =	sshrl.u32 s7, $0x2  }
0xb: {  	s4 =	smul.u32 $0x2710, s4;
	s8 =	ssub.s32 s6, s8;
	s6 =	sadd.s32 s21, s2  }
0xc: {  	s21 =	simm.s32 $0x7620;
	s24 =	sadd.s32 $0x2800, s6;
	s10 =	sadd.s32 $0x5000, s6  }
0xd: {  	s26 =	sadd.s32 $0x7800, s6;
	s14 =	smax.u32 s8, $0x1;
	[dreg:$0x5] =	wrdreg s24  }
0xe: {  	s5 =	sshrl.u32 s4, $0x3;
	s4 =	sadd.s32 $0x2C00, s1;
	[dreg:$0x6] =	wrdreg s10  }
0xf: {  	[dreg:$0x7] =	wrdreg s26;
	s26 =	simm.s32 $0x8A20;
	s5 =	sadd.s32 s5, s1  }
0x10: {  	s24 =	simm.s32 $0x0;
	s1 =	sadd.s32 $0x2A000, s1;
	s22 =	sadd.s32 $0x16600, s5  }
.Ltmp0:
0x11: {  	s5 =	sadd.s32 $0x20240, s5;
	[dreg:$0x3] =	wrdreg s22;
	(pc) =	sbr.rel .LBB2_1-.Ltmp0, $4  }
0x12: {  	s0 =	sadd.s32 s0, s1;
	[dreg:$0x4] =	wrdreg s5;
	s5 =	sor.u32 s25, s23  }
0x13: {  	s13 =	sadd.s32 $0x24900, s0;
	s0 =	sadd.s32 $0x92400, s2;
	s22 =	simm.s32 $0x9E20  }
0x14: {  	s23 =	simm.s32 $0x1;
	s5 =	sshrl.u32 s5, $0x3;
	s25 =	sshrl.u32 @p0 s0, $0x3  }
0x15: {  	v0 =	vimm.f32 $0.0e+00;
	s0 =	simm.s32 $0x3;
	s12 =	sadd.s32 s1, s5;
	s1 =	simm.s32 $0x7  }
.LBB2_6:
0x16: {  	_ =	swait.ge [sflag:s29], $0x1400  }
0x17: {  	[sflag:s29] =	ssyncset.done $0x0  }
0x18: {  	[sflag:s29] =	ssyncadd.s32 $0xFFFFEC00  }
0x19: {  	[spmem:s2] =	stream.indirect.scatter.add.f32 [tilespmem:s26], [sflag:$0x8], $0x40, s8, s17, $0xb8;
	[tilespmem:$0x16260] =	vst v63  }
0x1a: {  	_ =	swait.ge [sflag:s23], $0x1400  }
0x1b: {  	[sflag:s23] =	ssyncset.done $0x0  }
0x1c: {  	s5 =	simm.s32 $0x4DD0;
	[sflag:s23] =	ssyncadd.s32 $0xFFFFEC00  }
0x1d: {  	[spmem:s2] =	stream.indirect.scatter.add.f32 [tilespmem:s18], [sflag:$0x5], $0x40, s5, s17, $0xb8;
	[tilespmem:$0x16260] =	vst v63  }
0x1e: {  	_ =	swait.ge [sflag:s30], $0x1400  }
0x1f: {  	[sflag:s30] =	ssyncset.done $0x0  }
0x20: {  	[sflag:s30] =	ssyncadd.s32 $0xFFFFEC00  }
0x21: {  	_ =	swait.ge [sflag:s20], $0x1400  }
0x22: {  	[sflag:s20] =	ssyncset.done $0x0  }
0x23: {  	[sflag:s20] =	ssyncadd.s32 $0xFFFFEC00  }
0x24: {  	_ =	swait.ge [sflag:s1], $0x1400  }
0x25: {  	[sflag:s1] =	ssyncset.done $0x0  }
0x26: {  	[sflag:s1] =	ssyncadd.s32 $0xFFFFEC00  }
0x27: {  	_ =	swait.ge [sflag:s31], $0x1400  }
0x28: {  	s7 =	simm.s32 @p0 $0x10;
	[sflag:s31] =	ssyncset.done $0x0  }
0x29: {  	s9 =	simm.s32 @p0 $0x1FC9;
	s24 =	sadd.s32 $0x1, s24;
	[sflag:s31] =	ssyncadd.s32 $0xFFFFEC00  }
0x2a: {  	s8 =	simm.s32 @p0 $0x8;
	s5 =	simm.s32 @p0 $0x1;
	[bflag:$0x0] =	sbarrier.arrive $0xFFFF  }
0x2b: {  	[hbm:s13@s7], [sflag:s9] =	dma.strided @p0 [spmem:s25@s8], $0x1400, s5, $0x8   }
0x2c: {  	s10 =	simm.s32 @!p0 $0x8;
	p1 =	sne.s32 s24, s14;
	s5 =	simm.s32 @p0 $0x9  }
0x2d: {  	s7 =	stileid.u32;
	s8 =	simm.s32 @!p0 $0x1;
	_ =	swait.ge @p0 [sflag:s5], $0x1400  }
0x2e: {  	s9 =	simm.s32 @!p0 $0x10;
	s7 =	sshll.u32 @!p0 s7, $0x6;
	[sflag:s5] =	ssyncset.done @p0 $0x0  }
0x2f: {  	[sflag:s5] =	ssyncadd.s32 @p0 $0xFFFFEC00;
	s5 =	sor.u32 @!p0 $0x1C09, s7;
	s7 =	sshrl.u32 @!p0 s6, $0x3  }
0x30: {  	[hbm:s12@s9], [sflag:s5] =	dma.strided @!p0 [spmem:s7@s10], $0x1380, s8, $0x8   }
.Ltmp1:
0x31: {  	_ = 	snop;
	(pc) =	sbr.rel @!p1 .LBB2_7-.Ltmp1, $4  }
0x32: {  	s5 =	simm.s32 @!p0 $0x9  }
0x33: {  	_ =	swait.ge @!p0 [sflag:s5], $0x1380  }
0x34: {  	[sflag:s5] =	ssyncset.done @!p0 $0x0  }
0x35: {  	[sflag:s5] =	ssyncadd.s32 @!p0 $0xFFFFEC80  }
.LBB2_1:
0x36: {  	s5 =	rddreg [dreg:$0x3]  }
0x37: {  	[tilespmem:s3], [sflag:$0x9] =	stream.linear.gather [hbm4b:s5+s3], $0x2710, $0x38;
	[tilespmem:$0x16260] =	vst v63  }
0x38: {  	_ =	swait.ge [sflag:s15], $0x2710  }
0x39: {  	[sflag:s15] =	ssyncset.done $0x0  }
0x3a: {  	s9 =	rddreg [dreg:$0x4];
	[sflag:s15] =	ssyncadd.s32 $0xFFFFD8F0  }
0x3b: {  	[tilespmem:s16], [sflag:$0x9] =	stream.linear.gather [hbm4b:s9+s3], $0x2710, $0x38;
	[tilespmem:$0x16260] =	vst v63  }
0x3c: {  	_ =	swait.ge [sflag:s15], $0x2710  }
0x3d: {  	[sflag:s15] =	ssyncset.done $0x0  }
0x3e: {  	[sflag:s15] =	ssyncadd.s32 $0xFFFFD8F0  }
0x3f: {  	[tilespmem:s18], [sflag:$0x1] =	stream.indirect.gather [hbm4b:s4+s17], $0x40, s3, s17, $0xb8;
	[tilespmem:$0x16260] =	vst v63  }
0x40: {  	_ = 	snop  }
0x41: {  	[tilespmem:s19], [sflag:$0x2] =	stream.indirect.gather [hbm4b:s4+s17], $0x40, s17, s17, $0xb8;
	[tilespmem:$0x16260] =	vst v63  }
0x42: {  	s10 =	simm.s32 $0xA0;
	s7 =	simm.s32 $0x100;
	s5 =	simm.s32 $0x0  }
0x43: {  	[tilespmem:s21], [sflag:$0x3] =	stream.indirect.gather [hbm4b:s4+s17], $0x40, s10, s17, $0xb8;
	[tilespmem:$0x16260] =	vst v63  }
.LBB2_2:
0x44: {  	p1 =	sne.s32 s7, $0x9F00;
	[tilespmem:s5+$0x9E50] =	vst v0;
	s8 =	smov.u32 s7;
	s7 =	sadd.s32 $0x100, s7  }
.Ltmp2:
0x45: {  	[tilespmem:s5+$0x9E40] =	vst v0;
	(pc) =	sbr.rel @p1 .LBB2_2-.Ltmp2, $3  }
0x46: {  	[tilespmem:s5+$0x9E20] =	vst v0  }
0x47: {  	[tilespmem:s5+$0x9E30] =	vst v0;
	_ =	sdelay $0x1  }
0x48: {  	s5 =	sshra.s32 s8, $0x2  }
0x49: {  	[tilespmem:s5+$0x9E50] =	vst v0  }
0x4a: {  	[tilespmem:s5+$0x9E40] =	vst v0  }
0x4b: {  	[tilespmem:s5+$0x9E20] =	vst v0  }
0x4c: {  	[tilespmem:s5+$0x9E30] =	vst v0  }
0x4d: {  	[spmem:s6] =	stream.linear.scatter [tilespmem:s22], [sflag:$0x9], $0x2800, $0x38;
	[tilespmem:$0x16260] =	vst v63  }
0x4e: {  	_ =	swait.ge [sflag:s15], $0x2800  }
0x4f: {  	[sflag:s15] =	ssyncset.done $0x0  }
0x50: {  	s10 =	rddreg [dreg:$0x5];
	[sflag:s15] =	ssyncadd.s32 $0xFFFFD800  }
0x51: {  	[spmem:s10] =	stream.linear.scatter [tilespmem:s22], [sflag:$0x9], $0x2800, $0x38;
	[tilespmem:$0x16260] =	vst v63  }
0x52: {  	_ =	swait.ge [sflag:s15], $0x2800  }
0x53: {  	[sflag:s15] =	ssyncset.done $0x0  }
0x54: {  	s7 =	rddreg [dreg:$0x6];
	[sflag:s15] =	ssyncadd.s32 $0xFFFFD800  }
0x55: {  	[spmem:s7] =	stream.linear.scatter [tilespmem:s22], [sflag:$0x9], $0x2800, $0x38;
	[tilespmem:$0x16260] =	vst v63  }
0x56: {  	_ =	swait.ge [sflag:s15], $0x2800  }
0x57: {  	[sflag:s15] =	ssyncset.done $0x0  }
0x58: {  	s5 =	simm.s32 @p0 $0x9E20;
	[sflag:s15] =	ssyncadd.s32 $0xFFFFD800  }
0x59: {  	[spmem:s11] =	stream.linear.scatter @p0 [tilespmem:s5], [sflag:$0x9], $0x2800, $0x38;
	[tilespmem:$0x16260] =	vst v63  }
0x5a: {  	s5 =	simm.s32 @p0 $0x9  }
0x5b: {  	_ =	swait.ge @p0 [sflag:s5], $0x2800  }
0x5c: {  	[sflag:s5] =	ssyncset.done @p0 $0x0  }
0x5d: {  	s7 =	rddreg [dreg:$0x7];
	[sflag:s5] =	ssyncadd.s32 @p0 $0xFFFFD800;
	s5 =	simm.s32 @!p0 $0x9E20  }
0x5e: {  	[spmem:s7] =	stream.linear.scatter @!p0 [tilespmem:s5], [sflag:$0x9], $0x2400, $0x38;
	[tilespmem:$0x16260] =	vst v63  }
0x5f: {  	s5 =	simm.s32 @!p0 $0x9  }
0x60: {  	_ =	swait.ge @!p0 [sflag:s5], $0x2400  }
0x61: {  	[sflag:s5] =	ssyncset.done @!p0 $0x0  }
0x62: {  	[sflag:s5] =	ssyncadd.s32 @!p0 $0xFFFFDC00  }
0x63: {  	[bflag:$0x0] =	sbarrier.arrive $0xFFFF  }
0x64: {  	_ =	swait.ge [sflag:s23], $0x1400  }
0x65: {  	[sflag:s23] =	ssyncset.done $0x0  }
0x66: {  	[sflag:s23] =	ssyncadd.s32 $0xFFFFEC00  }
0x67: {  	[spmem:s2] =	stream.indirect.scatter.add.f32 [tilespmem:s18], [sflag:$0x5], $0x40, s16, s17, $0xb8;
	[tilespmem:$0x16260] =	vst v63  }
0x68: {  	s8 =	simm.s32 $0xF0  }
0x69: {  	[tilespmem:s26], [sflag:$0x4] =	stream.indirect.gather [hbm4b:s4+s17], $0x40, s8, s17, $0xb8;
	[tilespmem:$0x16260] =	vst v63  }
0x6a: {  	_ =	swait.ge [sflag:s28], $0x1400  }
0x6b: {  	[sflag:s28] =	ssyncset.done $0x0  }
0x6c: {  	s9 =	simm.s32 $0x2760;
	[sflag:s28] =	ssyncadd.s32 $0xFFFFEC00  }
0x6d: {  	[spmem:s2] =	stream.indirect.scatter.add.f32 [tilespmem:s19], [sflag:$0x6], $0x40, s9, s17, $0xb8;
	[tilespmem:$0x16260] =	vst v63  }
0x6e: {  	_ =	swait.ge [sflag:s30], $0x1400  }
0x6f: {  	[sflag:s30] =	ssyncset.done $0x0  }
0x70: {  	s10 =	simm.s32 $0x140;
	[sflag:s30] =	ssyncadd.s32 $0xFFFFEC00  }
0x71: {  	[tilespmem:s18], [sflag:$0x1] =	stream.indirect.gather [hbm4b:s4+s17], $0x40, s10, s17, $0xb8;
	[tilespmem:$0x16260] =	vst v63  }
0x72: {  	_ =	swait.ge [sflag:s0], $0x1400  }
0x73: {  	[sflag:s0] =	ssyncset.done $0x0  }
0x74: {  	s7 =	simm.s32 $0x27B0;
	[sflag:s0] =	ssyncadd.s32 $0xFFFFEC00  }
0x75: {  	[spmem:s2] =	stream.indirect.scatter.add.f32 [tilespmem:s21], [sflag:$0x7], $0x40, s7, s17, $0xb8;
	[tilespmem:$0x16260] =	vst v63  }
0x76: {  	_ =	swait.ge [sflag:s20], $0x1400  }
0x77: {  	[sflag:s20] =	ssyncset.done $0x0  }
0x78: {  	s8 =	simm.s32 $0x190;
	[sflag:s20] =	ssyncadd.s32 $0xFFFFEC00  }
0x79: {  	[tilespmem:s19], [sflag:$0x2] =	stream.indirect.gather [hbm4b:s4+s17], $0x40, s8, s17, $0xb8;
	[tilespmem:$0x16260] =	vst v63  }
0x7a: {  	_ =	swait.ge [sflag:s29], $0x1400  }
0x7b: {  	[sflag:s29] =	ssyncset.done $0x0  }
0x7c: {  	s9 =	simm.s32 $0x2800;
	[sflag:s29] =	ssyncadd.s32 $0xFFFFEC00  }
0x7d: {  	[spmem:s2] =	stream.indirect.scatter.add.f32 [tilespmem:s26], [sflag:$0x8], $0x40, s9, s17, $0xb8;
	[tilespmem:$0x16260] =	vst v63  }
0x7e: {  	_ =	swait.ge [sflag:s1], $0x1400  }
0x7f: {  	[sflag:s1] =	ssyncset.done $0x0  }
0x80: {  	s5 =	simm.s32 $0x0;
	s10 =	simm.s32 $0x1E0;
	[sflag:s1] =	ssyncadd.s32 $0xFFFFEC00  }
0x81: {  	[tilespmem:s21], [sflag:$0x3] =	stream.indirect.gather [hbm4b:s4+s17], $0x40, s10, s17, $0xb8;
	[tilespmem:$0x16260] =	vst v63  }
.LBB2_4:
0x82: {  	_ =	swait.ge [sflag:s23], $0x1400  }
0x83: {  	s7 =	sshra.s32 s5, $0x2;
	[sflag:s23] =	ssyncset.done $0x0  }
0x84: {  	s8 =	sadd.s32 $0x2850, s7;
	[sflag:s23] =	ssyncadd.s32 $0xFFFFEC00  }
0x85: {  	[spmem:s2] =	stream.indirect.scatter.add.f32 [tilespmem:s18], [sflag:$0x5], $0x40, s8, s17, $0xb8;
	[tilespmem:$0x16260] =	vst v63  }
0x86: {  	_ =	swait.ge [sflag:s31], $0x1400  }
0x87: {  	[sflag:s31] =	ssyncset.done $0x0  }
0x88: {  	s9 =	sadd.s32 $0x230, s7;
	[sflag:s31] =	ssyncadd.s32 $0xFFFFEC00  }
0x89: {  	[tilespmem:s26], [sflag:$0x4] =	stream.indirect.gather [hbm4b:s4+s17], $0x40, s9, s17, $0xb8;
	[tilespmem:$0x16260] =	vst v63  }
0x8a: {  	_ =	swait.ge [sflag:s28], $0x1400  }
0x8b: {  	[sflag:s28] =	ssyncset.done $0x0  }
0x8c: {  	s10 =	sadd.s32 $0x28A0, s7;
	[sflag:s28] =	ssyncadd.s32 $0xFFFFEC00  }
0x8d: {  	[spmem:s2] =	stream.indirect.scatter.add.f32 [tilespmem:s19], [sflag:$0x6], $0x40, s10, s17, $0xb8;
	[tilespmem:$0x16260] =	vst v63  }
0x8e: {  	_ =	swait.ge [sflag:s30], $0x1400  }
0x8f: {  	[sflag:s30] =	ssyncset.done $0x0  }
0x90: {  	p1 =	seq.s32 s5, $0x9100;
	s9 =	sadd.s32 $0x280, s7;
	[sflag:s30] =	ssyncadd.s32 $0xFFFFEC00  }
0x91: {  	[tilespmem:s18], [sflag:$0x1] =	stream.indirect.gather [hbm4b:s4+s17], $0x40, s9, s17, $0xb8;
	[tilespmem:$0x16260] =	vst v63  }
.Ltmp3:
0x92: {  	_ = 	snop;
	(pc) =	sbr.rel @p1 .LBB2_6-.Ltmp3, $4  }
0x93: {  	_ =	swait.ge [sflag:s0], $0x1400  }
0x94: {  	[sflag:s0] =	ssyncset.done $0x0  }
0x95: {  	s8 =	sadd.s32 $0x2940, s7;
	s10 =	sadd.s32 $0x28F0, s7;
	[sflag:s0] =	ssyncadd.s32 $0xFFFFEC00  }
0x96: {  	[spmem:s2] =	stream.indirect.scatter.add.f32 [tilespmem:s21], [sflag:$0x7], $0x40, s10, s17, $0xb8;
	[tilespmem:$0x16260] =	vst v63  }
0x97: {  	_ =	swait.ge [sflag:s20], $0x1400  }
0x98: {  	[sflag:s20] =	ssyncset.done $0x0  }
0x99: {  	s9 =	sadd.s32 $0x2D0, s7;
	[sflag:s20] =	ssyncadd.s32 $0xFFFFEC00  }
0x9a: {  	[tilespmem:s19], [sflag:$0x2] =	stream.indirect.gather [hbm4b:s4+s17], $0x40, s9, s17, $0xb8;
	[tilespmem:$0x16260] =	vst v63  }
0x9b: {  	_ =	swait.ge [sflag:s29], $0x1400  }
0x9c: {  	[sflag:s29] =	ssyncset.done $0x0  }
0x9d: {  	[sflag:s29] =	ssyncadd.s32 $0xFFFFEC00  }
0x9e: {  	[spmem:s2] =	stream.indirect.scatter.add.f32 [tilespmem:s26], [sflag:$0x8], $0x40, s8, s17, $0xb8;
	[tilespmem:$0x16260] =	vst v63  }
.Ltmp4:
0x9f: {  	_ = 	snop;
	(pc) =	sbr.rel .LBB2_4-.Ltmp4, $4  }
0xa0: {  	_ =	swait.ge [sflag:s1], $0x1400  }
0xa1: {  	[sflag:s1] =	ssyncset.done $0x0  }
0xa2: {  	s10 =	sadd.s32 $0x320, s7;
	s5 =	sadd.s32 $0x500, s5;
	[sflag:s1] =	ssyncadd.s32 $0xFFFFEC00  }
0xa3: {  	[tilespmem:s21], [sflag:$0x3] =	stream.indirect.gather [hbm4b:s4+s17], $0x40, s10, s17, $0xb8;
	[tilespmem:$0x16260] =	vst v63  }
.LBB2_7:
0xa4: {  	_ =	sfence.sel $0x180000  }
0xa5: {  	[bflag:$0x0] =	sbarrier.arrive $0xFFFF  }
0xa6: {  	_ =	strace $0x90000047  }
0xa7: {  	s0 =	stileid.u32;
	[bflag:$0x2] =	sbarrier.arrive $0xFFFF  }
0xa8: {  	p0 =	sne.s32 s0, $0x0;
	s0 =	rddreg [dreg:$0x2]  }
0xa9: {  	s0 =	sadd.s32 @!p0 $0x100000, s0  }
0xaa: {  	[sflag:s0] =	ssyncadd.tile.s32 @!p0 $0x1;
	_ =	shalt  }
.Lfunc_end2:
_tile_overlayer_lowered:
.L_overlay_start_2:
0xab: {  	(tag) =	ssettag $0x2  }
0xac: {  	s0 =	rddreg [dreg:$0x0];
	s2 =	stileid.u32  }
0xad: {  	s1 =	rddreg [dreg:$0x1];
	p0 =	sne.s32 s2, $0x0  }
0xae: {  	s3 =	rddreg [dreg:$0x2];
	[bflag:$0x3] =	sbarrier.arrive $0xFFFF;
	s2 =	simm.s32 @!p0 $0x1C09  }
0xaf: {  	[timem:s3], [sflag:s2] =	dma.local @!p0 [hbm:s0], s1  }
0xb0: {  	s0 =	simm.s32 @!p0 $0x9  }
0xb1: {  	_ =	swait.ge @!p0 [sflag:s0], s1  }
0xb2: {  	s1 =	ssub.s32 @!p0 $0x0, s1;
	[sflag:s0] =	ssyncset.done @!p0 $0x0  }
0xb3: {  	[sflag:s0] =	ssyncadd.s32 @!p0 s1  }
0xb4: {  	[bflag:$0x3] =	sbarrier.arrive $0xFFFF  }
0xb5: {  	_ =	shalt  }

</sc_bundles>
